<compile_context>
chip_gen: v7x
topology: tpu7x:2x2x1
jax: 0.10.2.dev20260603
libtpu: 0.0.44.dev20260713+nightly
codegen_flags: <defaults>
</compile_context>

<pallas_src>
import functools

import jax
import jax.numpy as jnp
from jax.experimental import pallas as pl


_MT = 256
_KT = 1024


def _agg_mm_kernel(a_ref, b_ref, bias_ref, o_ref, *, nk, add_bias):
    k = pl.program_id(1)

    @pl.when(k == 0)
    def _():
        o_ref[...] = jnp.zeros_like(o_ref)

    o_ref[...] += jnp.dot(a_ref[...], b_ref[...],
                          preferred_element_type=jnp.float32)

    if add_bias:
        @pl.when(k == nk - 1)
        def _():
            o_ref[...] += bias_ref[...]


def _dense_mm_kernel(a_ref, w_ref, bias_ref, o_ref, *, activate):
    acc = jnp.dot(a_ref[...], w_ref[...], preferred_element_type=jnp.float32)
    if activate:
        h = jnp.maximum(acc + bias_ref[...], 0.0)
        f = h.shape[1]
        mean = jnp.mean(h, axis=1, keepdims=True)
        var = jnp.sum((h - mean) ** 2, axis=1, keepdims=True) / (f - 1)
        o_ref[...] = (h - mean) / (jnp.sqrt(var) + 1e-5)
    else:
        o_ref[...] = acc


def _agg_mm(a, b, bias, add_bias):
    np_, _ = a.shape
    f = b.shape[1]
    if bias is None:
        bias = jnp.zeros((1, f), jnp.float32)
    nm, nk = np_ // _MT, np_ // _KT
    return pl.pallas_call(
        functools.partial(_agg_mm_kernel, nk=nk, add_bias=add_bias),
        grid=(nm, nk),
        in_specs=[
            pl.BlockSpec((_MT, _KT), lambda m, k: (m, k)),
            pl.BlockSpec((_KT, f), lambda m, k: (k, 0)),
            pl.BlockSpec((1, f), lambda m, k: (0, 0)),
        ],
        out_specs=pl.BlockSpec((_MT, f), lambda m, k: (m, 0)),
        out_shape=jax.ShapeDtypeStruct((np_, f), jnp.float32),
    )(a, b, bias)


def _dense_mm(a, w, bias, activate):
    np_, kdim = a.shape
    f = w.shape[1]
    nm = np_ // _MT
    return pl.pallas_call(
        functools.partial(_dense_mm_kernel, activate=activate),
        grid=(nm,),
        in_specs=[
            pl.BlockSpec((_MT, kdim), lambda m: (m, 0)),
            pl.BlockSpec((kdim, f), lambda m: (0, 0)),
            pl.BlockSpec((1, f), lambda m: (0, 0)),
        ],
        out_specs=pl.BlockSpec((_MT, f), lambda m: (m, 0)),
        out_shape=jax.ShapeDtypeStruct((np_, f), jnp.float32),
    )(a, w, bias)


def kernel(x, edge_index, W1, b1, W2, b2, W3, b3, Wout, bout):
    n, din = x.shape
    src = edge_index[0].astype(jnp.int32)
    dst = edge_index[1].astype(jnp.int32)

    deg = jnp.ones((n,), jnp.float32).at[dst].add(
        jnp.ones(src.shape, jnp.float32))
    dis = jax.lax.rsqrt(deg)
    norm = dis[src] * dis[dst]

    np_ = ((n + _KT - 1) // _KT) * _KT
    a_hat = jnp.zeros((np_, np_), jnp.float32)
    a_hat = a_hat.at[dst, src].add(norm)
    diag = jnp.arange(n, dtype=jnp.int32)
    a_hat = a_hat.at[diag, diag].add(1.0 / deg)

    xp = jnp.zeros((np_, din), x.dtype).at[:n].set(x)

    ax = _agg_mm(a_hat, xp, None, add_bias=False)
    h = _dense_mm(ax, W1, b1[None, :], activate=True)
    for (w, b) in ((W2, b2), (W3, b3)):
        ah = _agg_mm(a_hat, h, None, add_bias=False)
        h = _dense_mm(ah, w, b[None, :], activate=True)
    penultimate = h[:n]
    g = _dense_mm(h, Wout, jnp.zeros((1, Wout.shape[1]), jnp.float32),
                  activate=False)
    out = _agg_mm(a_hat, g, bout[None, :], add_bias=True)
    return (out[:n], penultimate)

# --- scband reference (transcript-rebuilt; emitter-appended) ---
"""Pipeline reference for scband-gnn-f-prime-28527172780191 (READ-ONLY COPY).

The authoritative reference and input builder live on the scoring server;
editing this copy changes nothing except your own understanding.
"""

import jax, jax.numpy as jnp
import numpy as np


def glorot(key, shape):
    fan_in, fan_out = shape[0], shape[1]
    limit = float(np.sqrt(6.0 / (fan_in + fan_out)))
    return jax.random.uniform(key, shape, jnp.float32, -limit, limit)


def gcn_conv(x, edge_index, W, b):
    # Faithful GCNConv: add self-loops, symmetric normalization, linear transform, scatter-add aggregation
    N = x.shape[0]
    loops = jnp.arange(N, dtype=edge_index.dtype)
    src = jnp.concatenate([edge_index[0], loops])
    dst = jnp.concatenate([edge_index[1], loops])
    deg = jnp.zeros((N,), x.dtype).at[dst].add(jnp.ones((src.shape[0],), x.dtype))
    deg_inv_sqrt = jnp.where(deg > 0, 1.0 / jnp.sqrt(deg), 0.0)
    norm = deg_inv_sqrt[src] * deg_inv_sqrt[dst]
    h = x @ W
    msg = h[src] * norm[:, None]
    out = jnp.zeros((N, W.shape[1]), x.dtype).at[dst].add(msg)
    return out + b


def instance_norm(x):
    mean = jnp.mean(x, axis=1, keepdims=True)
    std = jnp.std(x, axis=1, keepdims=True, ddof=1) + 1e-05  # torch.std is unbiased
    return (x - mean) / std


def setup_inputs(seed: int = 0) -> dict:
    key = jax.random.key(seed)
    ks = jax.random.split(key, 12)
    N, E = 10000, 160000
    din, dh, dout = 256, 512, 256
    x = jax.random.normal(ks[0], (N, din), jnp.float32)
    edge_index = jax.random.randint(ks[1], (2, E), 0, N, jnp.int64)
    W1 = glorot(ks[2], (din, dh)); b1 = jnp.zeros((dh,), jnp.float32)
    W2 = glorot(ks[3], (dh, dh)); b2 = jnp.zeros((dh,), jnp.float32)
    W3 = glorot(ks[4], (dh, dh)); b3 = jnp.zeros((dh,), jnp.float32)
    Wout = glorot(ks[5], (dh, dout)); bout = jnp.zeros((dout,), jnp.float32)
    return {"x": x, "edge_index": edge_index, "W1": W1, "b1": b1, "W2": W2, "b2": b2, "W3": W3, "b3": b3, "Wout": Wout, "bout": bout}


def reference(x, edge_index, W1, b1, W2, b2, W3, b3, Wout, bout):
    # conv1 -> relu -> instance_norm -> (dropout p=0, eval: no-op)
    h = gcn_conv(x, edge_index, W1, b1)
    h = jax.nn.relu(h)
    h = instance_norm(h)
    # hidden convs (num_layers - 2 = 2)
    for (W, b) in ((W2, b2), (W3, b3)):
        h = gcn_conv(h, edge_index, W, b)
        h = jax.nn.relu(h)
        h = instance_norm(h)
    penultimate = h
    out = gcn_conv(h, edge_index, Wout, bout)
    return (out, penultimate)

if __name__ == "__main__":
    import jax
    _d = setup_inputs()
    print(jax.jit(kernel)(*tuple(_d.values())))

</pallas_src>

<mosaic_0001>
module attributes {stable_mosaic.version = 14 : i64} {
  func.func @_agg_mm_kernel(%arg0: i32, %arg1: i32, %arg2: memref<256x1024xf32, #tpu.memory_space<vmem>>, %arg3: memref<1024x256xf32, #tpu.memory_space<vmem>>, %arg4: memref<1x256xf32, #tpu.memory_space<vmem>>, %arg5: memref<256x256xf32, #tpu.memory_space<vmem>>) attributes {dimension_semantics = [#tpu.dimension_semantics<arbitrary>, #tpu.dimension_semantics<arbitrary>], iteration_bounds = array<i64: 40, 10>, scalar_prefetch = 0 : i64, scratch_operands = 0 : i64, tpu.core_type = #tpu.core_type<tc>, window_params = [{transform_indices = @transform_0, window_bounds = array<i64: 256, 1024>}, {transform_indices = @transform_1, window_bounds = array<i64: 1024, 256>}, {pipeline_mode = #tpu.pipeline_mode<synchronous>, transform_indices = @transform_2, window_bounds = array<i64: 1, 256>}, {transform_indices = @transform_3, window_bounds = array<i64: 256, 256>}]} {
    %eq3A = arith.constant 0 : i32
    %eq3A_0 = arith.cmpi eq, %arg1, %eq3A : i32
    %convert_element_type3A = arith.extui %eq3A_0 : i1 to i32
    %cond3A = arith.constant 0 : i32
    %cond3A_1 = arith.cmpi ne, %convert_element_type3A, %cond3A : i32
    scf.if %cond3A_1 {
      %broadcast_in_dim3A = arith.constant 0.000000e+00 : f32
      %broadcast_in_dim3A_13 = vector.broadcast %broadcast_in_dim3A : f32 to vector<256x256xf32>
      %swap3A_14 = arith.constant 0 : index
      %swap3A_15 = arith.constant 0 : index
      %swap3A_16 = vector.load %arg5[%swap3A_14, %swap3A_15] : memref<256x256xf32, #tpu.memory_space<vmem>>, vector<256x256xf32>
      tpu.vector_store %arg5[%swap3A_14, %swap3A_15], %broadcast_in_dim3A_13 {strides = array<i32>} : memref<256x256xf32, #tpu.memory_space<vmem>>, vector<256x256xf32>,
    } else {
    }
    %get3A = arith.constant 0 : index
    %get3A_2 = arith.constant 0 : index
    %get3A_3 = vector.load %arg5[%get3A, %get3A_2] : memref<256x256xf32, #tpu.memory_space<vmem>>, vector<256x256xf32>
    %get3A_4 = arith.constant 0 : index
    %get3A_5 = arith.constant 0 : index
    %get3A_6 = vector.load %arg2[%get3A_4, %get3A_5] : memref<256x1024xf32, #tpu.memory_space<vmem>>, vector<256x1024xf32>
    %get3A_7 = arith.constant 0 : index
    %get3A_8 = arith.constant 0 : index
    %get3A_9 = vector.load %arg3[%get3A_7, %get3A_8] : memref<1024x256xf32, #tpu.memory_space<vmem>>, vector<1024x256xf32>
    %dot_general3A = arith.constant dense<0.000000e+00> : vector<256x256xf32>
    %dot_general3A_10 = tpu.matmul %get3A_6, %get3A_9, %dot_general3A {dimension_numbers = #tpu.dot_dimension_numbers<[1], [0], [0], [1], [0, 0, 1, 1], [], []>, transpose_lhs_hint = false} : vector<256x1024xf32>, vector<1024x256xf32>, vector<256x256xf32> -> vector<256x256xf32>
    %add3A = arith.addf %get3A_3, %dot_general3A_10 : vector<256x256xf32>
    %swap3A = arith.constant 0 : index
    %swap3A_11 = arith.constant 0 : index
    %swap3A_12 = vector.load %arg5[%swap3A, %swap3A_11] : memref<256x256xf32, #tpu.memory_space<vmem>>, vector<256x256xf32>
    tpu.vector_store %arg5[%swap3A, %swap3A_11], %add3A {strides = array<i32>} : memref<256x256xf32, #tpu.memory_space<vmem>>, vector<256x256xf32>,
    return
  }
  func.func @transform_0(%arg0: i32, %arg1: i32) -> (i32, i32) {
    %c0_i32 = arith.constant 0 : i32
    return %arg0, %arg1 : i32, i32
  }
  func.func @transform_1(%arg0: i32, %arg1: i32) -> (i32, i32) {
    %c0_i32 = arith.constant 0 : i32
    %c0_i32_0 = arith.constant 0 : i32
    return %arg1, %c0_i32 : i32, i32
  }
  func.func @transform_2(%arg0: i32, %arg1: i32) -> (i32, i32) {
    %c0_i32 = arith.constant 0 : i32
    %c0_i32_0 = arith.constant 0 : i32
    %c0_i32_1 = arith.constant 0 : i32
    return %c0_i32, %c0_i32_0 : i32, i32
  }
  func.func @transform_3(%arg0: i32, %arg1: i32) -> (i32, i32) {
    %c0_i32 = arith.constant 0 : i32
    %c0_i32_0 = arith.constant 0 : i32
    return %arg0, %c0_i32 : i32, i32
  }
}

module attributes {stable_mosaic.version = 14 : i64} {
  func.func @_dense_mm_kernel(%arg0: i32, %arg1: memref<256x256xf32, #tpu.memory_space<vmem>>, %arg2: memref<256x512xf32, #tpu.memory_space<vmem>>, %arg3: memref<1x512xf32, #tpu.memory_space<vmem>>, %arg4: memref<256x512xf32, #tpu.memory_space<vmem>>) attributes {dimension_semantics = [#tpu.dimension_semantics<arbitrary>], iteration_bounds = array<i64: 40>, scalar_prefetch = 0 : i64, scratch_operands = 0 : i64, tpu.core_type = #tpu.core_type<tc>, window_params = [{transform_indices = @transform_0, window_bounds = array<i64: 256, 256>}, {pipeline_mode = #tpu.pipeline_mode<synchronous>, transform_indices = @transform_1, window_bounds = array<i64: 256, 512>}, {pipeline_mode = #tpu.pipeline_mode<synchronous>, transform_indices = @transform_2, window_bounds = array<i64: 1, 512>}, {transform_indices = @transform_3, window_bounds = array<i64: 256, 512>}]} {
    %get3A = arith.constant 0 : index
    %get3A_0 = arith.constant 0 : index
    %get3A_1 = vector.load %arg1[%get3A, %get3A_0] : memref<256x256xf32, #tpu.memory_space<vmem>>, vector<256x256xf32>
    %get3A_2 = arith.constant 0 : index
    %get3A_3 = arith.constant 0 : index
    %get3A_4 = vector.load %arg2[%get3A_2, %get3A_3] : memref<256x512xf32, #tpu.memory_space<vmem>>, vector<256x512xf32>
    %dot_general3A = arith.constant dense<0.000000e+00> : vector<256x512xf32>
    %dot_general3A_5 = tpu.matmul %get3A_1, %get3A_4, %dot_general3A {dimension_numbers = #tpu.dot_dimension_numbers<[1], [0], [0], [1], [0, 0, 1, 1], [], []>, transpose_lhs_hint = false} : vector<256x256xf32>, vector<256x512xf32>, vector<256x512xf32> -> vector<256x512xf32>
    %get3A_6 = arith.constant 0 : index
    %get3A_7 = arith.constant 0 : index
    %get3A_8 = vector.load %arg3[%get3A_6, %get3A_7] : memref<1x512xf32, #tpu.memory_space<vmem>>, vector<1x512xf32>
    %add3A = vector.broadcast %get3A_8 : vector<1x512xf32> to vector<256x512xf32>
    %add3A_9 = arith.addf %dot_general3A_5, %add3A : vector<256x512xf32>
    %max3A = arith.constant 0.000000e+00 : f32
    %max3A_10 = vector.broadcast %max3A : f32 to vector<256x512xf32>
    %max3A_11 = arith.maximumf %add3A_9, %max3A_10 : vector<256x512xf32>
    %reduce_sum3A = arith.constant dense<0.000000e+00> : vector<256xf32>
    %reduce_sum3A_12 = vector.multi_reduction <add>, %max3A_11, %reduce_sum3A [1] : vector<256x512xf32> to vector<256xf32>
    %broadcast_in_dim3A = vector.shape_cast %reduce_sum3A_12 : vector<256xf32> to vector<256x1xf32>
    %div3A = arith.constant 5.120000e+02 : f32
    %div3A_13 = vector.broadcast %div3A : f32 to vector<256x1xf32>
    %div3A_14 = arith.divf %broadcast_in_dim3A, %div3A_13 : vector<256x1xf32>
    %sub3A = vector.broadcast %div3A_14 : vector<256x1xf32> to vector<256x512xf32>
    %sub3A_15 = arith.subf %max3A_11, %sub3A : vector<256x512xf32>
    %integer_pow3A = arith.mulf %sub3A_15, %sub3A_15 : vector<256x512xf32>
    %reduce_sum3A_16 = arith.constant dense<0.000000e+00> : vector<256xf32>
    %reduce_sum3A_17 = vector.multi_reduction <add>, %integer_pow3A, %reduce_sum3A_16 [1] : vector<256x512xf32> to vector<256xf32>
    %broadcast_in_dim3A_18 = vector.shape_cast %reduce_sum3A_17 : vector<256xf32> to vector<256x1xf32>
    %div3A_19 = arith.constant 5.110000e+02 : f32
    %div3A_20 = vector.broadcast %div3A_19 : f32 to vector<256x1xf32>
    %div3A_21 = arith.divf %broadcast_in_dim3A_18, %div3A_20 : vector<256x1xf32>
    %sub3A_22 = vector.broadcast %div3A_14 : vector<256x1xf32> to vector<256x512xf32>
    %sub3A_23 = arith.subf %max3A_11, %sub3A_22 : vector<256x512xf32>
    %sqrt3A = math.sqrt %div3A_21 : vector<256x1xf32>
    %add3A_24 = arith.constant 9.99999974E-6 : f32
    %add3A_25 = vector.broadcast %add3A_24 : f32 to vector<256x1xf32>
    %add3A_26 = arith.addf %sqrt3A, %add3A_25 : vector<256x1xf32>
    %div3A_27 = vector.broadcast %add3A_26 : vector<256x1xf32> to vector<256x512xf32>
    %div3A_28 = arith.divf %sub3A_23, %div3A_27 : vector<256x512xf32>
    %swap3A = arith.constant 0 : index
    %swap3A_29 = arith.constant 0 : index
    %swap3A_30 = vector.load %arg4[%swap3A, %swap3A_29] : memref<256x512xf32, #tpu.memory_space<vmem>>, vector<256x512xf32>
    tpu.vector_store %arg4[%swap3A, %swap3A_29], %div3A_28 {strides = array<i32>} : memref<256x512xf32, #tpu.memory_space<vmem>>, vector<256x512xf32>,
    return
  }
  func.func @transform_0(%arg0: i32) -> (i32, i32) {
    %c0_i32 = arith.constant 0 : i32
    %c0_i32_0 = arith.constant 0 : i32
    return %arg0, %c0_i32 : i32, i32
  }
  func.func @transform_1(%arg0: i32) -> (i32, i32) {
    %c0_i32 = arith.constant 0 : i32
    %c0_i32_0 = arith.constant 0 : i32
    %c0_i32_1 = arith.constant 0 : i32
    return %c0_i32, %c0_i32_0 : i32, i32
  }
  func.func @transform_2(%arg0: i32) -> (i32, i32) {
    %c0_i32 = arith.constant 0 : i32
    %c0_i32_0 = arith.constant 0 : i32
    %c0_i32_1 = arith.constant 0 : i32
    return %c0_i32, %c0_i32_0 : i32, i32
  }
  func.func @transform_3(%arg0: i32) -> (i32, i32) {
    %c0_i32 = arith.constant 0 : i32
    %c0_i32_0 = arith.constant 0 : i32
    return %arg0, %c0_i32 : i32, i32
  }
}

module attributes {stable_mosaic.version = 14 : i64} {
  func.func @_agg_mm_kernel(%arg0: i32, %arg1: i32, %arg2: memref<256x1024xf32, #tpu.memory_space<vmem>>, %arg3: memref<1024x512xf32, #tpu.memory_space<vmem>>, %arg4: memref<1x512xf32, #tpu.memory_space<vmem>>, %arg5: memref<256x512xf32, #tpu.memory_space<vmem>>) attributes {dimension_semantics = [#tpu.dimension_semantics<arbitrary>, #tpu.dimension_semantics<arbitrary>], iteration_bounds = array<i64: 40, 10>, scalar_prefetch = 0 : i64, scratch_operands = 0 : i64, tpu.core_type = #tpu.core_type<tc>, window_params = [{transform_indices = @transform_0, window_bounds = array<i64: 256, 1024>}, {transform_indices = @transform_1, window_bounds = array<i64: 1024, 512>}, {pipeline_mode = #tpu.pipeline_mode<synchronous>, transform_indices = @transform_2, window_bounds = array<i64: 1, 512>}, {transform_indices = @transform_3, window_bounds = array<i64: 256, 512>}]} {
    %eq3A = arith.constant 0 : i32
    %eq3A_0 = arith.cmpi eq, %arg1, %eq3A : i32
    %convert_element_type3A = arith.extui %eq3A_0 : i1 to i32
    %cond3A = arith.constant 0 : i32
    %cond3A_1 = arith.cmpi ne, %convert_element_type3A, %cond3A : i32
    scf.if %cond3A_1 {
      %broadcast_in_dim3A = arith.constant 0.000000e+00 : f32
      %broadcast_in_dim3A_13 = vector.broadcast %broadcast_in_dim3A : f32 to vector<256x512xf32>
      %swap3A_14 = arith.constant 0 : index
      %swap3A_15 = arith.constant 0 : index
      %swap3A_16 = vector.load %arg5[%swap3A_14, %swap3A_15] : memref<256x512xf32, #tpu.memory_space<vmem>>, vector<256x512xf32>
      tpu.vector_store %arg5[%swap3A_14, %swap3A_15], %broadcast_in_dim3A_13 {strides = array<i32>} : memref<256x512xf32, #tpu.memory_space<vmem>>, vector<256x512xf32>,
    } else {
    }
    %get3A = arith.constant 0 : index
    %get3A_2 = arith.constant 0 : index
    %get3A_3 = vector.load %arg5[%get3A, %get3A_2] : memref<256x512xf32, #tpu.memory_space<vmem>>, vector<256x512xf32>
    %get3A_4 = arith.constant 0 : index
    %get3A_5 = arith.constant 0 : index
    %get3A_6 = vector.load %arg2[%get3A_4, %get3A_5] : memref<256x1024xf32, #tpu.memory_space<vmem>>, vector<256x1024xf32>
    %get3A_7 = arith.constant 0 : index
    %get3A_8 = arith.constant 0 : index
    %get3A_9 = vector.load %arg3[%get3A_7, %get3A_8] : memref<1024x512xf32, #tpu.memory_space<vmem>>, vector<1024x512xf32>
    %dot_general3A = arith.constant dense<0.000000e+00> : vector<256x512xf32>
    %dot_general3A_10 = tpu.matmul %get3A_6, %get3A_9, %dot_general3A {dimension_numbers = #tpu.dot_dimension_numbers<[1], [0], [0], [1], [0, 0, 1, 1], [], []>, transpose_lhs_hint = false} : vector<256x1024xf32>, vector<1024x512xf32>, vector<256x512xf32> -> vector<256x512xf32>
    %add3A = arith.addf %get3A_3, %dot_general3A_10 : vector<256x512xf32>
    %swap3A = arith.constant 0 : index
    %swap3A_11 = arith.constant 0 : index
    %swap3A_12 = vector.load %arg5[%swap3A, %swap3A_11] : memref<256x512xf32, #tpu.memory_space<vmem>>, vector<256x512xf32>
    tpu.vector_store %arg5[%swap3A, %swap3A_11], %add3A {strides = array<i32>} : memref<256x512xf32, #tpu.memory_space<vmem>>, vector<256x512xf32>,
    return
  }
  func.func @transform_0(%arg0: i32, %arg1: i32) -> (i32, i32) {
    %c0_i32 = arith.constant 0 : i32
    return %arg0, %arg1 : i32, i32
  }
  func.func @transform_1(%arg0: i32, %arg1: i32) -> (i32, i32) {
    %c0_i32 = arith.constant 0 : i32
    %c0_i32_0 = arith.constant 0 : i32
    return %arg1, %c0_i32 : i32, i32
  }
  func.func @transform_2(%arg0: i32, %arg1: i32) -> (i32, i32) {
    %c0_i32 = arith.constant 0 : i32
    %c0_i32_0 = arith.constant 0 : i32
    %c0_i32_1 = arith.constant 0 : i32
    return %c0_i32, %c0_i32_0 : i32, i32
  }
  func.func @transform_3(%arg0: i32, %arg1: i32) -> (i32, i32) {
    %c0_i32 = arith.constant 0 : i32
    %c0_i32_0 = arith.constant 0 : i32
    return %arg0, %c0_i32 : i32, i32
  }
}

module attributes {stable_mosaic.version = 14 : i64} {
  func.func @_dense_mm_kernel(%arg0: i32, %arg1: memref<256x512xf32, #tpu.memory_space<vmem>>, %arg2: memref<512x512xf32, #tpu.memory_space<vmem>>, %arg3: memref<1x512xf32, #tpu.memory_space<vmem>>, %arg4: memref<256x512xf32, #tpu.memory_space<vmem>>) attributes {dimension_semantics = [#tpu.dimension_semantics<arbitrary>], iteration_bounds = array<i64: 40>, scalar_prefetch = 0 : i64, scratch_operands = 0 : i64, tpu.core_type = #tpu.core_type<tc>, window_params = [{transform_indices = @transform_0, window_bounds = array<i64: 256, 512>}, {pipeline_mode = #tpu.pipeline_mode<synchronous>, transform_indices = @transform_1, window_bounds = array<i64: 512, 512>}, {pipeline_mode = #tpu.pipeline_mode<synchronous>, transform_indices = @transform_2, window_bounds = array<i64: 1, 512>}, {transform_indices = @transform_3, window_bounds = array<i64: 256, 512>}]} {
    %get3A = arith.constant 0 : index
    %get3A_0 = arith.constant 0 : index
    %get3A_1 = vector.load %arg1[%get3A, %get3A_0] : memref<256x512xf32, #tpu.memory_space<vmem>>, vector<256x512xf32>
    %get3A_2 = arith.constant 0 : index
    %get3A_3 = arith.constant 0 : index
    %get3A_4 = vector.load %arg2[%get3A_2, %get3A_3] : memref<512x512xf32, #tpu.memory_space<vmem>>, vector<512x512xf32>
    %dot_general3A = arith.constant dense<0.000000e+00> : vector<256x512xf32>
    %dot_general3A_5 = tpu.matmul %get3A_1, %get3A_4, %dot_general3A {dimension_numbers = #tpu.dot_dimension_numbers<[1], [0], [0], [1], [0, 0, 1, 1], [], []>, transpose_lhs_hint = false} : vector<256x512xf32>, vector<512x512xf32>, vector<256x512xf32> -> vector<256x512xf32>
    %get3A_6 = arith.constant 0 : index
    %get3A_7 = arith.constant 0 : index
    %get3A_8 = vector.load %arg3[%get3A_6, %get3A_7] : memref<1x512xf32, #tpu.memory_space<vmem>>, vector<1x512xf32>
    %add3A = vector.broadcast %get3A_8 : vector<1x512xf32> to vector<256x512xf32>
    %add3A_9 = arith.addf %dot_general3A_5, %add3A : vector<256x512xf32>
    %max3A = arith.constant 0.000000e+00 : f32
    %max3A_10 = vector.broadcast %max3A : f32 to vector<256x512xf32>
    %max3A_11 = arith.maximumf %add3A_9, %max3A_10 : vector<256x512xf32>
    %reduce_sum3A = arith.constant dense<0.000000e+00> : vector<256xf32>
    %reduce_sum3A_12 = vector.multi_reduction <add>, %max3A_11, %reduce_sum3A [1] : vector<256x512xf32> to vector<256xf32>
    %broadcast_in_dim3A = vector.shape_cast %reduce_sum3A_12 : vector<256xf32> to vector<256x1xf32>
    %div3A = arith.constant 5.120000e+02 : f32
    %div3A_13 = vector.broadcast %div3A : f32 to vector<256x1xf32>
    %div3A_14 = arith.divf %broadcast_in_dim3A, %div3A_13 : vector<256x1xf32>
    %sub3A = vector.broadcast %div3A_14 : vector<256x1xf32> to vector<256x512xf32>
    %sub3A_15 = arith.subf %max3A_11, %sub3A : vector<256x512xf32>
    %integer_pow3A = arith.mulf %sub3A_15, %sub3A_15 : vector<256x512xf32>
    %reduce_sum3A_16 = arith.constant dense<0.000000e+00> : vector<256xf32>
    %reduce_sum3A_17 = vector.multi_reduction <add>, %integer_pow3A, %reduce_sum3A_16 [1] : vector<256x512xf32> to vector<256xf32>
    %broadcast_in_dim3A_18 = vector.shape_cast %reduce_sum3A_17 : vector<256xf32> to vector<256x1xf32>
    %div3A_19 = arith.constant 5.110000e+02 : f32
    %div3A_20 = vector.broadcast %div3A_19 : f32 to vector<256x1xf32>
    %div3A_21 = arith.divf %broadcast_in_dim3A_18, %div3A_20 : vector<256x1xf32>
    %sub3A_22 = vector.broadcast %div3A_14 : vector<256x1xf32> to vector<256x512xf32>
    %sub3A_23 = arith.subf %max3A_11, %sub3A_22 : vector<256x512xf32>
    %sqrt3A = math.sqrt %div3A_21 : vector<256x1xf32>
    %add3A_24 = arith.constant 9.99999974E-6 : f32
    %add3A_25 = vector.broadcast %add3A_24 : f32 to vector<256x1xf32>
    %add3A_26 = arith.addf %sqrt3A, %add3A_25 : vector<256x1xf32>
    %div3A_27 = vector.broadcast %add3A_26 : vector<256x1xf32> to vector<256x512xf32>
    %div3A_28 = arith.divf %sub3A_23, %div3A_27 : vector<256x512xf32>
    %swap3A = arith.constant 0 : index
    %swap3A_29 = arith.constant 0 : index
    %swap3A_30 = vector.load %arg4[%swap3A, %swap3A_29] : memref<256x512xf32, #tpu.memory_space<vmem>>, vector<256x512xf32>
    tpu.vector_store %arg4[%swap3A, %swap3A_29], %div3A_28 {strides = array<i32>} : memref<256x512xf32, #tpu.memory_space<vmem>>, vector<256x512xf32>,
    return
  }
  func.func @transform_0(%arg0: i32) -> (i32, i32) {
    %c0_i32 = arith.constant 0 : i32
    %c0_i32_0 = arith.constant 0 : i32
    return %arg0, %c0_i32 : i32, i32
  }
  func.func @transform_1(%arg0: i32) -> (i32, i32) {
    %c0_i32 = arith.constant 0 : i32
    %c0_i32_0 = arith.constant 0 : i32
    %c0_i32_1 = arith.constant 0 : i32
    return %c0_i32, %c0_i32_0 : i32, i32
  }
  func.func @transform_2(%arg0: i32) -> (i32, i32) {
    %c0_i32 = arith.constant 0 : i32
    %c0_i32_0 = arith.constant 0 : i32
    %c0_i32_1 = arith.constant 0 : i32
    return %c0_i32, %c0_i32_0 : i32, i32
  }
  func.func @transform_3(%arg0: i32) -> (i32, i32) {
    %c0_i32 = arith.constant 0 : i32
    %c0_i32_0 = arith.constant 0 : i32
    return %arg0, %c0_i32 : i32, i32
  }
}

module attributes {stable_mosaic.version = 14 : i64} {
  func.func @_dense_mm_kernel(%arg0: i32, %arg1: memref<256x512xf32, #tpu.memory_space<vmem>>, %arg2: memref<512x256xf32, #tpu.memory_space<vmem>>, %arg3: memref<1x256xf32, #tpu.memory_space<vmem>>, %arg4: memref<256x256xf32, #tpu.memory_space<vmem>>) attributes {dimension_semantics = [#tpu.dimension_semantics<arbitrary>], iteration_bounds = array<i64: 40>, scalar_prefetch = 0 : i64, scratch_operands = 0 : i64, tpu.core_type = #tpu.core_type<tc>, window_params = [{transform_indices = @transform_0, window_bounds = array<i64: 256, 512>}, {pipeline_mode = #tpu.pipeline_mode<synchronous>, transform_indices = @transform_1, window_bounds = array<i64: 512, 256>}, {pipeline_mode = #tpu.pipeline_mode<synchronous>, transform_indices = @transform_2, window_bounds = array<i64: 1, 256>}, {transform_indices = @transform_3, window_bounds = array<i64: 256, 256>}]} {
    %get3A = arith.constant 0 : index
    %get3A_0 = arith.constant 0 : index
    %get3A_1 = vector.load %arg1[%get3A, %get3A_0] : memref<256x512xf32, #tpu.memory_space<vmem>>, vector<256x512xf32>
    %get3A_2 = arith.constant 0 : index
    %get3A_3 = arith.constant 0 : index
    %get3A_4 = vector.load %arg2[%get3A_2, %get3A_3] : memref<512x256xf32, #tpu.memory_space<vmem>>, vector<512x256xf32>
    %dot_general3A = arith.constant dense<0.000000e+00> : vector<256x256xf32>
    %dot_general3A_5 = tpu.matmul %get3A_1, %get3A_4, %dot_general3A {dimension_numbers = #tpu.dot_dimension_numbers<[1], [0], [0], [1], [0, 0, 1, 1], [], []>, transpose_lhs_hint = false} : vector<256x512xf32>, vector<512x256xf32>, vector<256x256xf32> -> vector<256x256xf32>
    %swap3A = arith.constant 0 : index
    %swap3A_6 = arith.constant 0 : index
    %swap3A_7 = vector.load %arg4[%swap3A, %swap3A_6] : memref<256x256xf32, #tpu.memory_space<vmem>>, vector<256x256xf32>
    tpu.vector_store %arg4[%swap3A, %swap3A_6], %dot_general3A_5 {strides = array<i32>} : memref<256x256xf32, #tpu.memory_space<vmem>>, vector<256x256xf32>,
    return
  }
  func.func @transform_0(%arg0: i32) -> (i32, i32) {
    %c0_i32 = arith.constant 0 : i32
    %c0_i32_0 = arith.constant 0 : i32
    return %arg0, %c0_i32 : i32, i32
  }
  func.func @transform_1(%arg0: i32) -> (i32, i32) {
    %c0_i32 = arith.constant 0 : i32
    %c0_i32_0 = arith.constant 0 : i32
    %c0_i32_1 = arith.constant 0 : i32
    return %c0_i32, %c0_i32_0 : i32, i32
  }
  func.func @transform_2(%arg0: i32) -> (i32, i32) {
    %c0_i32 = arith.constant 0 : i32
    %c0_i32_0 = arith.constant 0 : i32
    %c0_i32_1 = arith.constant 0 : i32
    return %c0_i32, %c0_i32_0 : i32, i32
  }
  func.func @transform_3(%arg0: i32) -> (i32, i32) {
    %c0_i32 = arith.constant 0 : i32
    %c0_i32_0 = arith.constant 0 : i32
    return %arg0, %c0_i32 : i32, i32
  }
}

module attributes {stable_mosaic.version = 14 : i64} {
  func.func @_agg_mm_kernel(%arg0: i32, %arg1: i32, %arg2: memref<256x1024xf32, #tpu.memory_space<vmem>>, %arg3: memref<1024x256xf32, #tpu.memory_space<vmem>>, %arg4: memref<1x256xf32, #tpu.memory_space<vmem>>, %arg5: memref<256x256xf32, #tpu.memory_space<vmem>>) attributes {dimension_semantics = [#tpu.dimension_semantics<arbitrary>, #tpu.dimension_semantics<arbitrary>], iteration_bounds = array<i64: 40, 10>, scalar_prefetch = 0 : i64, scratch_operands = 0 : i64, tpu.core_type = #tpu.core_type<tc>, window_params = [{transform_indices = @transform_0, window_bounds = array<i64: 256, 1024>}, {transform_indices = @transform_1, window_bounds = array<i64: 1024, 256>}, {pipeline_mode = #tpu.pipeline_mode<synchronous>, transform_indices = @transform_2, window_bounds = array<i64: 1, 256>}, {transform_indices = @transform_3, window_bounds = array<i64: 256, 256>}]} {
    %eq3A = arith.constant 0 : i32
    %eq3A_0 = arith.cmpi eq, %arg1, %eq3A : i32
    %convert_element_type3A = arith.extui %eq3A_0 : i1 to i32
    %cond3A = arith.constant 0 : i32
    %cond3A_1 = arith.cmpi ne, %convert_element_type3A, %cond3A : i32
    scf.if %cond3A_1 {
      %broadcast_in_dim3A = arith.constant 0.000000e+00 : f32
      %broadcast_in_dim3A_18 = vector.broadcast %broadcast_in_dim3A : f32 to vector<256x256xf32>
      %swap3A_19 = arith.constant 0 : index
      %swap3A_20 = arith.constant 0 : index
      %swap3A_21 = vector.load %arg5[%swap3A_19, %swap3A_20] : memref<256x256xf32, #tpu.memory_space<vmem>>, vector<256x256xf32>
      tpu.vector_store %arg5[%swap3A_19, %swap3A_20], %broadcast_in_dim3A_18 {strides = array<i32>} : memref<256x256xf32, #tpu.memory_space<vmem>>, vector<256x256xf32>,
    } else {
    }
    %get3A = arith.constant 0 : index
    %get3A_2 = arith.constant 0 : index
    %get3A_3 = vector.load %arg5[%get3A, %get3A_2] : memref<256x256xf32, #tpu.memory_space<vmem>>, vector<256x256xf32>
    %get3A_4 = arith.constant 0 : index
    %get3A_5 = arith.constant 0 : index
    %get3A_6 = vector.load %arg2[%get3A_4, %get3A_5] : memref<256x1024xf32, #tpu.memory_space<vmem>>, vector<256x1024xf32>
    %get3A_7 = arith.constant 0 : index
    %get3A_8 = arith.constant 0 : index
    %get3A_9 = vector.load %arg3[%get3A_7, %get3A_8] : memref<1024x256xf32, #tpu.memory_space<vmem>>, vector<1024x256xf32>
    %dot_general3A = arith.constant dense<0.000000e+00> : vector<256x256xf32>
    %dot_general3A_10 = tpu.matmul %get3A_6, %get3A_9, %dot_general3A {dimension_numbers = #tpu.dot_dimension_numbers<[1], [0], [0], [1], [0, 0, 1, 1], [], []>, transpose_lhs_hint = false} : vector<256x1024xf32>, vector<1024x256xf32>, vector<256x256xf32> -> vector<256x256xf32>
    %add3A = arith.addf %get3A_3, %dot_general3A_10 : vector<256x256xf32>
    %swap3A = arith.constant 0 : index
    %swap3A_11 = arith.constant 0 : index
    %swap3A_12 = vector.load %arg5[%swap3A, %swap3A_11] : memref<256x256xf32, #tpu.memory_space<vmem>>, vector<256x256xf32>
    tpu.vector_store %arg5[%swap3A, %swap3A_11], %add3A {strides = array<i32>} : memref<256x256xf32, #tpu.memory_space<vmem>>, vector<256x256xf32>,
    %eq3A_13 = arith.constant 9 : i32
    %eq3A_14 = arith.cmpi eq, %arg1, %eq3A_13 : i32
    %convert_element_type3A_15 = arith.extui %eq3A_14 : i1 to i32
    %cond3A_16 = arith.constant 0 : i32
    %cond3A_17 = arith.cmpi ne, %convert_element_type3A_15, %cond3A_16 : i32
    scf.if %cond3A_17 {
      %get3A_18 = arith.constant 0 : index
      %get3A_19 = arith.constant 0 : index
      %get3A_20 = vector.load %arg5[%get3A_18, %get3A_19] : memref<256x256xf32, #tpu.memory_space<vmem>>, vector<256x256xf32>
      %get3A_21 = arith.constant 0 : index
      %get3A_22 = arith.constant 0 : index
      %get3A_23 = vector.load %arg4[%get3A_21, %get3A_22] : memref<1x256xf32, #tpu.memory_space<vmem>>, vector<1x256xf32>
      %add3A_24 = vector.broadcast %get3A_23 : vector<1x256xf32> to vector<256x256xf32>
      %add3A_25 = arith.addf %get3A_20, %add3A_24 : vector<256x256xf32>
      %swap3A_26 = arith.constant 0 : index
      %swap3A_27 = arith.constant 0 : index
      %swap3A_28 = vector.load %arg5[%swap3A_26, %swap3A_27] : memref<256x256xf32, #tpu.memory_space<vmem>>, vector<256x256xf32>
      tpu.vector_store %arg5[%swap3A_26, %swap3A_27], %add3A_25 {strides = array<i32>} : memref<256x256xf32, #tpu.memory_space<vmem>>, vector<256x256xf32>,
    } else {
    }
    return
  }
  func.func @transform_0(%arg0: i32, %arg1: i32) -> (i32, i32) {
    %c0_i32 = arith.constant 0 : i32
    return %arg0, %arg1 : i32, i32
  }
  func.func @transform_1(%arg0: i32, %arg1: i32) -> (i32, i32) {
    %c0_i32 = arith.constant 0 : i32
    %c0_i32_0 = arith.constant 0 : i32
    return %arg1, %c0_i32 : i32, i32
  }
  func.func @transform_2(%arg0: i32, %arg1: i32) -> (i32, i32) {
    %c0_i32 = arith.constant 0 : i32
    %c0_i32_0 = arith.constant 0 : i32
    %c0_i32_1 = arith.constant 0 : i32
    return %c0_i32, %c0_i32_0 : i32, i32
  }
  func.func @transform_3(%arg0: i32, %arg1: i32) -> (i32, i32) {
    %c0_i32 = arith.constant 0 : i32
    %c0_i32_0 = arith.constant 0 : i32
    return %arg0, %c0_i32 : i32, i32
  }
}

</mosaic_0001>

<sc_bundles>
// kernel: scatter_offload_async_start.1
scs
__scs_entry_jumppad:
0x0: {  	(pc) =	sbr.rel $0x88, $3  }
0x1: {  	(tag) =	ssettag $0x0;
	lr =	simm.s32 $0x1  }
0x2: {  	[smem:$0x3F97] =	sst lr;
	_ =	strace $0xD0000000  }
0x3: {  	_ = 	snop  }
0x4: {  	_ = 	snop  }
0x5: {  	_ = 	snop  }
0x6: {  	_ = 	snop  }
0x7: {  	_ = 	snop  }
__scs_overlays_trampoline_lowered:
0x8: {  	[smem:$0x3FA6] =	sst s0  }
0x9: {  	[smem:$0x3FA7] =	sst s1  }
0xa: {  	[smem:$0x3FA8] =	sst s2  }
0xb: {  	[smem:$0x3FA9] =	sst s3  }
0xc: {  	[smem:$0x3FAA] =	sst s4  }
0xd: {  	[smem:$0x3FAB] =	sst s5  }
0xe: {  	[smem:$0x3FAC] =	sst s6  }
0xf: {  	[smem:$0x3FAD] =	sst s7  }
0x10: {  	[smem:$0x3FAE] =	sst s8  }
0x11: {  	[smem:$0x3FAF] =	sst s9;
	s0 =	simm.s32 @!p0 $0x0  }
0x12: {  	s1 =	sld [smem:$0x3F95];
	s0 =	simm.s32 @p0 $0x1  }
0x13: {  	[smem:$0x3FB0] =	sst s0;
	s0 =	simm.s32 @!p1 $0x0  }
0x14: {  	s2 =	sld [smem:$0x3F94];
	s0 =	simm.s32 @p1 $0x1  }
0x15: {  	[smem:$0x3FB1] =	sst s0;
	s0 =	simm.s32 @!p2 $0x0  }
0x16: {  	s3 =	sld [smem:$0x3FDB];
	s0 =	simm.s32 @p2 $0x1  }
0x17: {  	s4 =	simm.s32 $0x1BF5;
	[smem:$0x3FB3] =	sst s0  }
0x18: {  	s0 =	sld [smem:$0x3F96];
	_ =	swait.ge [sflag:s4], $0x0  }
0x19: {  	s7 =	sld [smem:$0x3F97]  }
0x1a: {  	s8 =	sadd.s32 $0xFFFFE003, lr  }
0x1b: {  	s9 =	sadd.s32 $0xFFFFFEF7, lr;
	s5 =	simm.s32 $0xFFFFFFFF;
	p2 =	slt.u32 s8, $0xFFFFF086  }
0x1c: {  	p1 =	slt.u32 s9, $0xF7A;
	s5 =	simm.s32 @!p2 $0x0  }
0x1d: {  	s5 =	simm.s32 @p1 $0x1;
	p0 =	seq.s32 s7, s2  }
0x1e: {  	s7 =	smul.u32 @!p0 $0xF7A, s2;
	p2 =	seq.s32 @!p0 s5, $0x0  }
0x1f: {  	s9 =	smul.u32 $0xF7A, s1;
	s8 =	simm.s32 @!p0 $0x1BF5;
	p2 =	por !p2, p0  }
0x20: {  	[sflag:s8] =	ssyncset.s32 @!p0 $0xFFFFF086;
	s6 =	sadd.s32 @!p0 s3, s7;
	s7 =	simm.s32 @!p0 $0x108  }
0x21: {  	s3 =	sadd.s32 s3, s9;
	s6 =	sadd.s32 @!p0 $0x88, s6;
	s7 =	simm.s32 @p2 $0x1082  }
0x22: {  	[simem:s7], [sflag:s8] =	dma.local @!p0 [hbm:s6], $0xF7A  }
0x23: {  	s9 =	sor.u32 $0xD0000000, s2;
	s6 =	simm.s32 $0x108;
	_ =	swait.ge @!p0 [sflag:s8], $0x0  }
0x24: {  	s3 =	sadd.s32 $0x88, s3;
	s6 =	simm.s32 @!p1 $0x1082;
	[sflag:s4] =	ssyncset.s32 $0xFFFFF086  }
0x25: {  	[simem:s6], [sflag:s4] =	dma.local [hbm:s3], $0xF7A  }
0x26: {  	[smem:$0x3F97] =	sst s1;
	(tag) =	ssettag s2;
	_ =	strace s9  }
0x27: {  	s1 =	sld [smem:$0x3FA7]  }
0x28: {  	s2 =	sld [smem:$0x3FA8]  }
0x29: {  	s4 =	sld [smem:$0x3FAA]  }
0x2a: {  	p0 =	seq.s32 s5, $0x0;
	s5 =	sld [smem:$0x3FAB]  }
0x2b: {  	s6 =	sld [smem:$0x3FAC]  }
0x2c: {  	s7 =	sld [smem:$0x3FAD]  }
0x2d: {  	s3 =	simm.s32 $0x108;
	s8 =	sld [smem:$0x3FAE]  }
0x2e: {  	s3 =	simm.s32 @!p0 $0x1082;
	s9 =	sld [smem:$0x3FAF]  }
0x2f: {  	lr =	sadd.s32 s0, s3;
	s0 =	sld [smem:$0x3FA6]  }
0x30: {  	s3 =	sld [smem:$0x3FA9]  }
0x31: {  	[smem:$0x3FB2] =	sst s10  }
0x32: {  	s10 =	sld [smem:$0x3FB0];
	_ =	sdelay $0x3  }
0x33: {  	p0 =	seq.s32 s10, $0x1;
	s10 =	sld [smem:$0x3FB2];
	_ =	sdelay $0x3  }
0x34: {  	[smem:$0x3FB2] =	sst s10  }
0x35: {  	s10 =	sld [smem:$0x3FB1];
	_ =	sdelay $0x3  }
0x36: {  	p1 =	seq.s32 s10, $0x1;
	s10 =	sld [smem:$0x3FB2];
	_ =	sdelay $0x3  }
0x37: {  	[smem:$0x3FB2] =	sst s10  }
0x38: {  	s10 =	sld [smem:$0x3FB3]  }
0x39: {  	_ = 	snop;
	(pc) =	sbr.ind lr, $3  }
0x3a: {  	_ = 	snop  }
0x3b: {  	_ = 	snop  }
0x3c: {  	p2 =	seq.s32 s10, $0x1;
	s10 =	sld [smem:$0x3FB2]  }
0x3d: {  	_ =	shalt  }
0x3e: {  	_ =	shalt  }
0x3f: {  	_ =	shalt  }
0x40: {  	_ =	shalt  }
0x41: {  	_ =	shalt  }
0x42: {  	_ =	shalt  }
0x43: {  	_ =	shalt  }
0x44: {  	_ =	shalt  }
0x45: {  	_ =	shalt  }
0x46: {  	_ =	shalt  }
0x47: {  	_ =	shalt  }
0x48: {  	_ =	shalt  }
0x49: {  	_ =	shalt  }
0x4a: {  	_ =	shalt  }
0x4b: {  	_ =	shalt  }
0x4c: {  	_ =	shalt  }
0x4d: {  	_ =	shalt  }
0x4e: {  	_ =	shalt  }
0x4f: {  	_ =	shalt  }
0x50: {  	_ =	shalt  }
0x51: {  	_ =	shalt  }
0x52: {  	_ =	shalt  }
0x53: {  	_ =	shalt  }
0x54: {  	_ =	shalt  }
0x55: {  	_ =	shalt  }
0x56: {  	_ =	shalt  }
0x57: {  	_ =	shalt  }
0x58: {  	_ =	shalt  }
0x59: {  	_ =	shalt  }
0x5a: {  	_ =	shalt  }
0x5b: {  	_ =	shalt  }
0x5c: {  	_ =	shalt  }
0x5d: {  	_ =	shalt  }
0x5e: {  	_ =	shalt  }
0x5f: {  	_ =	shalt  }
0x60: {  	_ =	shalt  }
0x61: {  	_ =	shalt  }
0x62: {  	_ =	shalt  }
0x63: {  	_ =	shalt  }
0x64: {  	_ =	shalt  }
0x65: {  	_ =	shalt  }
0x66: {  	_ =	shalt  }
0x67: {  	_ =	shalt  }
0x68: {  	_ =	shalt  }
0x69: {  	_ =	shalt  }
0x6a: {  	_ =	shalt  }
0x6b: {  	_ =	shalt  }
0x6c: {  	_ =	shalt  }
0x6d: {  	_ =	shalt  }
0x6e: {  	_ =	shalt  }
0x6f: {  	_ =	shalt  }
0x70: {  	_ =	shalt  }
0x71: {  	_ =	shalt  }
0x72: {  	_ =	shalt  }
0x73: {  	_ =	shalt  }
0x74: {  	_ =	shalt  }
0x75: {  	_ =	shalt  }
0x76: {  	_ =	shalt  }
0x77: {  	_ =	shalt  }
0x78: {  	_ =	shalt  }
0x79: {  	_ =	shalt  }
0x7a: {  	_ =	shalt  }
0x7b: {  	_ =	shalt  }
0x7c: {  	_ =	shalt  }
0x7d: {  	_ =	shalt  }
0x7e: {  	_ =	shalt  }
0x7f: {  	_ =	shalt  }
0x80: {  	_ =	shalt  }
0x81: {  	_ =	shalt  }
0x82: {  	_ =	shalt  }
0x83: {  	_ =	shalt  }
0x84: {  	_ =	shalt  }
0x85: {  	_ =	shalt  }
0x86: {  	_ =	shalt  }
0x87: {  	_ =	shalt  }
.Lfunc_end0:
.L_simem_size_0:
called_computation.1_lowered:
.L_overlay_start_0:
0x88: {  	s0 =	sld [smem:$0x3FD9]  }
0x89: {  	s1 =	sld [smem:$0x3FFE];
	_ =	sdelay $0x3  }
0x8a: {  	s0 =	sadd.s32 s1, s0  }
0x8b: {  	[smem:$0x3FBE] =	sst s0  }
0x8c: {  	_ = 	snop  }
0x8d: {  	s0 =	sld [smem:$0x3FD0];
	_ =	sdelay $0x2  }
0x8e: {  	s13 =	simm.s32 $0xA;
	s2 =	simm.s32 $0x10  }
0x8f: {  	[smem:s2], [sflag:s13] =	dma.local [hbm:s0], $0x1  }
0x90: {  	_ =	swait.eq [sflag:s13], $0x1  }
0x91: {  	[sflag:s13] =	ssyncset.done $0x0  }
0x92: {  	[sflag:s13] =	ssyncadd.s32 $0xFFFFFFFF  }
0x93: {  	s14 =	sld [smem:$0x10];
	(tm) =	ssettm $0x1  }
0x94: {  	s15 =	sld [smem:$0x3FFB];
	_ =	sdelay $0x3  }
0x95: {  	_ =	strace s15  }
0x96: {  	s1 =	sld [smem:$0x3FFC];
	_ =	sdelay $0x3  }
0x97: {  	_ =	strace s1  }
0x98: {  	s1 =	sld [smem:$0x3FFD];
	_ =	sdelay $0x3  }
0x99: {  	_ =	strace s1  }
0x9a: {  	_ =	strace $0x8FFFFFFF  }
0x9b: {  	s16 =	sld [smem:$0x3FDB];
	_ =	sdelay $0x1  }
0x9c: {  	s17 =	simm.s32 $_scs_section_size  }
0x9d: {  	s3 =	simm.s32 $_size__tile_overlayer_lowered;
	s4 =	simm.s32 $_tile_overlayer_lowered  }
0x9e: {  	s20 =	simm.s32 $0x1BFF;
	s19 =	sshll.u32 s4, $0x1;
	s1 =	sadd.s32 s17, s16  }
0x9f: {  	s5 =	simm.s32 $0x0;
	s18 =	sshll.u32 s3, $0x1;
	s3 =	sadd.s32 s19, s1  }
0xa0: {  	[timem:s5], [sflag:s20] =	dma.local [hbm:s3], s18  }
0xa1: {  	_ =	swait.ge [sflag:s20], s18  }
0xa2: {  	s2 =	ssub.s32 $0x0, s18;
	[sflag:s20] =	ssyncset.done $0x0  }
0xa3: {  	[sflag:s20] =	ssyncadd.s32 s2;
	_ =	sdelay $0x1  }
0xa4: {  	s21 =	simm.s32 $0x1B8B  }
0xa5: {  	_ =	swait.ge [sflag:s21], $0x1  }
0xa6: {  	[sflag:s21] =	ssyncset.done $0x0  }
0xa7: {  	s23 =	simm.s32 $0x1B8E;
	s22 =	sld [smem:$0x3FFE];
	[sflag:s21] =	ssyncadd.s32 $0xFFFFFFFF  }
0xa8: {  	s24 =	simm.s32 $execute0_lowered;
	[smem:$0x3FD2] =	sst s23  }
0xa9: {  	s3 =	sshll.u32 s24, $0x1;
	_ =	strace $0x80000049;
	[dreg:$0x1] =	wrdreg $0xFFFFFFFF  }
0xaa: {  	s25 =	simm.s32 $_size_execute0_lowered;
	s1 =	sadd.s32 s1, s3;
	[dreg:$0x0] =	wrdreg $0x0  }
0xab: {  	s3 =	sshll.u32 s25, $0x1;
	[dreg:$0x2] =	wrdreg s1  }
0xac: {  	[dreg:$0x3] =	wrdreg s3  }
0xad: {  	[dreg:$0x4] =	wrdreg $0xC0  }
0xae: {  	_ =	task [dreg:s5], $0x5FFFF  }
0xaf: {  	[dreg:$0x1] =	wrdreg $0xFFFFFFFF  }
0xb0: {  	[dreg:$0x0] =	wrdreg $0x60  }
0xb1: {  	[dreg:$0x2] =	wrdreg s22  }
0xb2: {  	[dreg:$0x3] =	wrdreg s14  }
0xb3: {  	[dreg:$0x4] =	wrdreg $0x9  }
0xb4: {  	_ =	task.clear_ibuf [dreg:s5], $0x5FFFF;
	_ =	strace $0x90000049  }
0xb5: {  	s26 =	simm.s32 $0x9;
	_ =	strace $0x8000004B  }
0xb6: {  	_ =	swait.ge [sflag:s26], $0x1  }
0xb7: {  	[sflag:s26] =	ssyncadd.s32 $0xFFFFFFFF  }
0xb8: {  	_ =	strace $0x9000004B  }
0xb9: {  	_ =	sfence  }
0xba: {  	s28 =	sld [smem:$0x0];
	_ =	sdelay $0x1  }
0xbb: {  	s29 =	srdreg.scid  }
0xbc: {  	s30 =	sshll.u32 s29, $0xD;
	s31 =	sshrl.u32 s29, $0x2  }
0xbd: {  	s2 =	sand.u32 $0x4000, s30;
	s1 =	sand.u32 $0x1, s29;
	s0 =	sadd.s32 s31, s28  }
0xbe: {  	s1 =	sor.u32 s2, s1;
	s0 =	sshll.u32 s0, $0x11  }
0xbf: {  	s0 =	sor.u32 s0, s1  }
0xc0: {  	s0 =	sadd.s32 $0x8F2B, s0  }
0xc1: {  	[sflag:s0] =	ssyncadd.remote.s32 $0x1  }
0xc2: {  	_ =	sfence.sel $0xFFFF  }
0xc3: {  	[dreg:$0x0] =	wrdreg $0xFFFFFFFF;
	(pc) =	sbr.abs _section_cstart, $3  }
0xc4: {  	[dreg:$0x1] =	wrdreg $0xFFFFFFFF  }
0xc5: {  	_ =	task.clear_ibuf [dreg:s5], $0x2FFFF;
	_ =	strace $0x9FFFFFFF  }
0xc6: {  	(tm) =	ssettm $0x7FFFFFFF  }
0xc7: {  	_ =	shalt  }
tec
execute0_lowered:
.L_overlay_start_1:
0x0: {  	(tag) =	ssettag $0x1  }
0x1: {  	s0 =	rddreg [dreg:$0x0]  }
0x2: {  	s3 =	rddreg [dreg:$0x1];
	s14 =	stileid.u32  }
0x3: {  	_ =	strace $0x8000004A;
	s2 =	simm.s32 $0x1;
	s1 =	smin.u32 s14, $0x4  }
0x4: {  	v1 =	vimm.s32 $0xFFFFFFFF;
	[sflag:s2] =	ssyncpa.u1 $0x0;
	s1 =	sadd.s32 s14, s1  }
0x5: {  	p0 =	slt.u32 s14, $0x4;
	[tilespmem:$0x10] =	vst v1;
	s4 =	smul.u32 $0x1F40, s1;
	s1 =	simm.s32 $0x3E80  }
0x6: {  	v0 =	vimm.f32 $0.0e+00;
	[tilespmem:$0x20] =	vst v1;
	s1 =	simm.s32 @!p0 $0x1F40  }
0x7: {  	[tilespmem:$0x30] =	vst v0;
	s1 =	sadd.s32 s1, s4  }
0x8: {  	[tilespmem:$0x40] =	vst v0;
	s5 =	smin.u32 s1, $0x27100  }
0x9: {  	[tilespmem:$0x50] =	vst v0;
	s9 =	ssub.s32 s5, s4  }
0xa: {  	s7 =	simm.s32 $0x2;
	[tilespmem:$0x60] =	vst v1;
	p0 =	sgt.s32 s9, $0x0  }
0xb: {  	s8 =	simm.s32 $0x8;
	s31 =	simm.s32 $0x9;
	[tilespmem:$0x70] =	vst v1;
	s9 =	simm.s32 @!p0 $0x0  }
0xc: {  	s16 =	simm.s32 $0x0;
	s17 =	simm.s32 $0xF0;
	[tilespmem:$0x80] =	vst v1;
	s30 =	smulhi.u32 $0x10624DD3, s9  }
0xd: {  	s18 =	simm.s32 $0xFFFFFFFF;
	s19 =	simm.s32 $0xFFFFC280;
	s20 =	simm.s32 $0xFFFFFFFE;
	v1 =	vimm.s32 $0x0;
	[tilespmem:$0xB0] =	vst v0  }
0xe: {  	s21 =	simm.s32 $0xF;
	s25 =	simm.s32 $0x0;
	[tilespmem:$0x90] =	vst v1;
	s10 =	sshrl.u32 s30, $0x9  }
0xf: {  	[tilespmem:$0xA0] =	vst v1;
	[sflag:s7] =	ssyncpa.u1 $0x0;
	s7 =	simm.s32 $0x7;
	s11 =	smul.u32 $0x1F40, s10  }
0x10: {  	s24 =	simm.s32 $0x0;
	s6 =	sadd.s32 $0x600, s0;
	[sflag:s7] =	ssyncpa.u1 $0x0  }
.Ltmp0:
0x11: {  	[sflag:s8] =	ssyncpa.u1 $0x0;
	p0 =	sne.s32 s9, s11;
	(pc) =	sbr.rel .LBB2_1-.Ltmp0, $4  }
0x12: {  	s23 =	smov.u32 s4;
	s1 =	sadd.s32 $0x5C00, s0;
	s2 =	simm.s32 @!p0 $0x0  }
0x13: {  	[sflag:s31] =	ssyncpa.u1 $0x0;
	p0 =	por $0x0, $0x0;
	s9 =	sadd.s32 s2, s10  }
0x14: {  	vm0 =	vmmov $0xffff;
	v2 =	vlaneseq.u32;
	s10 =	sshll.u32 s14, $0x1;
	s14 =	sshllo.u32 s14, $0x1;
	s11 =	sadd.s32 $0x1, s9  }
0x15: {  	vm1 =	vmxor vm1, vm1;
	vm2 =	vmmov $0x1;
	vm3 =	vcmask $0x3F3C;
	s12 =	sadd.s32 $0x2, s9;
	s13 =	sor.u32 $0x81, s10;
	s15 =	sor.u32 $0x80, s10  }
.LBB2_9:
0x16: {  	p1 =	slt.u32 s24, $0x3  }
0x17: {  	s0 =	simm.s32 @!p1 $0x2  }
0x18: {  	_ =	swait.ge @!p1 [sflag:s0], $0x1F40  }
0x19: {  	[sflag:s0] =	ssyncset.done @!p1 $0x0  }
0x1a: {  	[sflag:s0] =	ssyncadd.s32 @!p1 $0xFFFFE0C0;
	s0 =	simm.s32 @!p1 $0x9  }
0x1b: {  	_ =	swait.ge @!p1 [sflag:s0], $0x10  }
0x1c: {  	[sflag:s0] =	ssyncset.done @!p1 $0x0  }
0x1d: {  	[sflag:s0] =	ssyncadd.s32 @!p1 $0xFFFFFFF0;
	p1 =	sne.s32 s24, s12  }
.Ltmp1:
0x1e: {  	s2 =	sadd.s32 $0x1F40, s23;
	(pc) =	sbr.rel @!p1 .LBB2_10-.Ltmp1, $4  }
0x1f: {  	s22 =	smov.u32 s4;
	s31 =	sadd.s32 $0x1, s24;
	s17 =	sadd.s32 $0x1F40, s17  }
0x20: {  	s18 =	sadd.s32 $0x1, s18;
	s25 =	smov.u32 s23;
	p2 =	slt.s32 s2, s5  }
0x21: {  	p0 =	por !p0, !p0;
	s19 =	sadd.s32 $0x1F40, s19;
	s22 =	smov.u32 @p2 s2  }
0x22: {  	s20 =	sadd.s32 $0x1, s20;
	s23 =	smov.u32 s22;
	s24 =	smov.u32 s31  }
.LBB2_1:
0x23: {  	p1 =	sge.u32 s24, s9  }
0x24: {  	s0 =	smulhi.u32 @!p1 $0xAAAAAAAB, s24;
	_ =	sdelay $0x1  }
0x25: {  	s0 =	sshrl.u32 @!p1 s0, $0x1  }
0x26: {  	s0 =	smul.u32 @!p1 $0x3, s0;
	_ =	sdelay $0x1  }
0x27: {  	s0 =	ssub.s32 @!p1 s24, s0  }
0x28: {  	s0 =	smul.u32 @!p1 $0x7D00, s0;
	_ =	sdelay $0x1  }
0x29: {  	s2 =	sshrl.u32 @!p1 s23, $0x3;
	s0 =	sshrl.u32 @!p1 s0, $0x2  }
0x2a: {  	s22 =	sand.u32 @!p1 $0x7, s23;
	s2 =	sadd.s32 @!p1 s3, s2;
	s0 =	sadd.s32 @!p1 $0x100, s0  }
0x2b: {  	[tilespmem:s0], [sflag:$0x7] =	stream.linear.gather @!p1 [hbm4b:s2+s22], $0x1F40, $0x38;
	[tilespmem:$0x11A60] =	vst v63  }
0x2c: {  	s0 =	sadd.s32 $0xFFFFFFFF, s24  }
0x2d: {  	p1 =	sge.u32 s0, s9  }
.Ltmp2:
0x2e: {  	_ = 	snop;
	(pc) =	sbr.rel @p1 .LBB2_5-.Ltmp2, $1  }
0x2f: {  	_ =	sdelay $0x3  }
0x30: {  	s2 =	smulhi.u32 $0xAAAAAAAB, s0;
	_ =	sdelay $0x1  }
0x31: {  	s2 =	sshrl.u32 s2, $0x1  }
0x32: {  	s2 =	smul.u32 $0x3, s2;
	_ =	sdelay $0x1  }
0x33: {  	s2 =	ssub.s32 s0, s2  }
0x34: {  	s2 =	smul.u32 $0x7D00, s2  }
0x35: {  	_ =	swait.ge [sflag:s7], $0x1F40  }
0x36: {  	[sflag:s7] =	ssyncset.done $0x0;
	s2 =	sshrl.u32 s2, $0x2  }
0x37: {  	[sflag:s7] =	ssyncadd.s32 $0xFFFFE0C0;
	(ifvalue) =	ssetifvalue $0xFFFFFFFF;
	v3 =	vld.msk [tilespmem:s2+$0x100 ss:$0x1], $0xffff;
	_ =	sdelay $0x2  }
0x38: {  	s30 =	smulhi.u32 $0xAAAAAAAB, s18;
	p1 =	sne.s32 s24, $0x1  }
0x39: {  	v4 =	vimm.s32 @!p1 $0x0  }
0x3a: {  	s2 =	sshrl.u32 s30, $0x1;
	v4 =	vperm.xlane @!p1 v3, v4  }
0x3b: {  	s22 =	sshll.u32 s24, $0x4;
	s2 =	smul.u32 $0xFFFE8900, s2;
	vm4 =	vlt.u32 v3, $0x6400000  }
0x3c: {  	s22 =	sand.u32 $0x10, s22;
	v3 =	vnsel vm4, $0xFFFFFFFE, v3;
	vm4 =	vlt.u32 @!p1 v4, $0x6400000  }
0x3d: {  	s2 =	sshra.s32 s2, $0x2;
	[tilespmem:s22+$0x60] =	vst v3;
	v3 =	vnsel @!p1 vm4, $0xFFFFFFFE, v4  }
0x3e: {  	s28 =	sadd.s32 s2, s17;
	[tilespmem:$0x80] =	vst @!p1 v3  }
0x3f: {  	v3 =	vld.msk [tilespmem:s28+$0x0 ss:$0x1], $0xffff;
	_ =	sdelay $0x4  }
0x40: {  	(xrf1) =	vunique.msk.u32 $0xffff, v3;
	_ =	sdelay $0xd  }
0x41: {  	v4 =	vimm.s32 $0xFFFFFFFF;
	v5, _, _ =	vpop (xrf1)  }
0x42: {  	vm5 =	vne.s32 v3, v4;
	vm4 =	veq.s32 v5, v2  }
0x43: {  	vm6 =	vlt.u32 v3, $0x6400000;
	vm4 =	vmand vm5, vm4  }
0x44: {  	vm4 =	vmand vm6, vm4  }
0x45: {  	v4 =	vnsel vm4, $0xFFFFFFFF, v3  }
0x46: {  	s31 =	sand.u32 $0x1, s0  }
0x47: {  	s0 =	simm.s32 $0x1F40;
	p1 =	seq.s32 s31, $0x1  }
0x48: {  	s0 =	simm.s32 @!p1 $0x0  }
0x49: {  	s26 =	sadd.s32 $0x7DF0, s0;
	(ifvalue) =	ssetifvalue $0xFFFFFFFF  }
0x4a: {  	v3 =	vperm.xlane v3, v1;
	[tilespmem:s26], [sflag:$0x8] =	stream.indirect_vreg.gather [hbm4b:s1+s16], $0x1, v4, vm0, $0x4038;
	v4 =	vnsel vm6, $0xFFFFFFFE, v4;
	[tilespmem:$0x11A60] =	vst v63  }
0x4b: {  	s2 =	simm.s32 $0x0;
	s22 =	sadd.s32 $0xFFFFFFF0, s28;
	[tilespmem:s28+$0x0] =	vst v4  }
.LBB2_3:
0x4c: {  	v4 =	vld.msk [tilespmem:s22+$0x0 ss:$0x1], $0xffff;
	s2 =	sadd.s32 $0x10, s2;
	v5 =	vmov v3;
	s28 =	smov.u32 s22  }
0x4d: {  	p1 =	slt.u32 s2, $0x1F30;
	_ =	sdelay $0x4  }
0x4e: {  	v3 =	vperm.xlane v4, v1;
	(xrf1) =	vunique.msk.u32 $0xffff, v4;
	_ =	sdelay $0xd  }
0x4f: {  	v6, _, _ =	vpop (xrf1)  }
0x50: {  	vm5 =	vne.s32 v4, v5;
	vm4 =	veq.s32 v6, v2  }
0x51: {  	vm6 =	vlt.u32 v4, $0x6400000;
	vm4 =	vmand vm5, vm4  }
0x52: {  	vm4 =	vmand vm6, vm4  }
0x53: {  	v4 =	vnsel vm4, $0xFFFFFFFF, v4  }
.Ltmp3:
0x54: {  	v5 =	vnsel vm6, $0xFFFFFFFE, v4;
	(pc) =	sbr.rel @p1 .LBB2_3-.Ltmp3, $3  }
0x55: {  	_ =	sdelay $0x1  }
0x56: {  	s22 =	sadd.s32 $0xFFFFFFF0, s22;
	s26 =	sadd.s32 $0xFFFFFFF0, s26;
	(ifvalue) =	ssetifvalue $0xFFFFFFFF  }
0x57: {  	[tilespmem:s26], [sflag:$0x8] =	stream.indirect_vreg.gather [hbm4b:s1+s16], $0x1, v4, vm0, $0x4038;
	[tilespmem:s28+$0x0] =	vst v5  }
0x58: {  	s2 =	sshrl.u32 s25, $0x3  }
0x59: {  	s0 =	sadd.s32 $0x9D40, s0;
	s2 =	sadd.s32 s6, s2  }
0x5a: {  	[tilespmem:s0], [sflag:$0x8] =	stream.linear.gather [hbm:s2], $0x1F40, $0x38;
	[tilespmem:$0x11A60] =	vst v63  }
.LBB2_5:
0x5b: {  	p1 =	slt.u32 s24, $0x2  }
0x5c: {  	p2 =	sge.u32 @!p1 s24, s12  }
0x5d: {  	p1 =	por p1, p2  }
.Ltmp4:
0x5e: {  	_ = 	snop;
	(pc) =	sbr.rel @p1 .LBB2_9-.Ltmp4, $1  }
0x5f: {  	_ =	sdelay $0x3  }
0x60: {  	s0 =	sadd.s32 $0xFFFFFFFE, s24  }
0x61: {  	s2 =	smulhi.u32 $0xAAAAAAAB, s0;
	_ =	sdelay $0x1  }
0x62: {  	s2 =	sshrl.u32 s2, $0x1  }
0x63: {  	s2 =	smul.u32 $0x3, s2;
	_ =	sdelay $0x1  }
0x64: {  	s0 =	ssub.s32 s0, s2  }
0x65: {  	_ =	swait.ge [sflag:s8], $0x3E80;
	s0 =	smul.u32 $0x1F40, s0  }
0x66: {  	p1 =	sne.s32 s24, s11;
	[sflag:s8] =	ssyncset.done $0x0  }
0x67: {  	[sflag:s8] =	ssyncadd.s32 $0xFFFFC180;
	s2 =	sadd.s32 @!p1 $0x203F, s0  }
0x68: {  	[spmem:s13] =	stream.linear.scatter @!p1 [tilespmem:s2], [sflag:$0x1], $0x1, $0x38;
	[tilespmem:$0x11A60] =	vst v63  }
0x69: {  	s2 =	simm.s32 @!p1 $0x1  }
0x6a: {  	_ =	swait.ge @!p1 [sflag:s2], $0x1  }
0x6b: {  	s22 =	sshll.u32 s24, $0x4;
	[sflag:s2] =	ssyncset.done @!p1 $0x0  }
0x6c: {  	s25 =	sand.u32 $0x10, s22;
	[sflag:s2] =	ssyncadd.s32 @!p1 $0xFFFFFFFF  }
0x6d: {  	s2 =	sxor.u32 $0x10, s25;
	v4 =	vld [tilespmem:s25+$0x10]  }
0x6e: {  	v5 =	vld [tilespmem:s2+$0x60]  }
0x6f: {  	v3 =	vld [tilespmem:$0x80];
	_ =	sdelay $0x2  }
0x70: {  	(v2sf) =	vpush v4, $0x0  }
0x71: {  	(v2sf) =	vpush v5, $0x0  }
0x72: {  	(v2sf) =	vpush v3, $0x0;
	_ =	sdelay $0xc  }
0x73: {  	s22 =	spop (v2sf)  }
0x74: {  	s26 =	spop (v2sf)  }
0x75: {  	s28 =	spop (v2sf)  }
0x76: {  	p2 =	seq.s32 s22, s26;
	p3 =	seq.s32 s28, s22  }
0x77: {  	p3 =	por p2, p3  }
0x78: {  	s26 =	sand.u32 $0x1, s24;
	v4 =	vpsel p3, $0xFFFFFFFF, v4  }
0x79: {  	s29 =	smul.u32 $0x1F40, s26;
	[tilespmem:s25+$0x10] =	vst.msk $0x1, v4  }
0x7a: {  	v4 =	vld [tilespmem:$0x30]  }
0x7b: {  	v5 =	vld [tilespmem:s29+$0x9D40]  }
0x7c: {  	v6 =	vld [tilespmem:s25+$0x40];
	_ =	sdelay $0x3  }
0x7d: {  	vm4 =	vmmov vm1;
	v5 =	vadd.f32 v5, v4  }
0x7e: {  	vm5 =	vmmov vm2;
	vm4 =	vmmov @p2 vm2;
	s22 =	sshll.u32 s26, $0x4;
	v4 =	vadd.f32 v6, v4  }
0x7f: {  	s26 =	sor.u32 $0x11A40, s22;
	vm5 =	vmmov @p3 vm1;
	[tilespmem:s29+$0x9D40] =	vst.msk vm4, v5  }
0x80: {  	[tilespmem:s26+$0x0] =	vst.msk vm5, v4  }
0x81: {  	v4 =	vld [tilespmem:s29+$0x7DF0];
	_ =	sdelay $0x3  }
0x82: {  	v5 =	vimm.f32 $0.0e+00  }
0x83: {  	v4 =	vshift.insert v4, v5, s21  }
0x84: {  	s22 =	sor.u32 $0x40, s2  }
0x85: {  	[tilespmem:s22+$0x0] =	vst.msk $0x1, v4  }
0x86: {  	[tilespmem:s29+$0x7DFF] =	vst.msk $0x1, v5  }
0x87: {  	v4 =	vld [tilespmem:s0+$0x2030];
	_ =	sdelay $0x1  }
0x88: {  	s22 =	smulhi.u32 $0xAAAAAAAB, s20;
	s0 =	simm.s32 $0x1  }
0x89: {  	s0 =	simm.s32 @!p0 $0x0  }
0x8a: {  	s22 =	sshrl.u32 s22, $0x1;
	s0 =	smul.u32 $0x7D00, s0  }
0x8b: {  	s22 =	smul.u32 $0xFFFE8900, s22;
	v4 =	vshift.insert v4, v1, s21  }
0x8c: {  	s0 =	sshrl.u32 s0, $0x2  }
0x8d: {  	s22 =	sshra.s32 s22, $0x2;
	s30 =	sadd.s32 $0x9D40, s0;
	[tilespmem:s2+$0x10] =	vst.msk $0x1, v4  }
0x8e: {  	s22 =	sadd.s32 s22, s19;
	v6 =	vld [tilespmem:s30+$0x0]  }
0x8f: {  	v7 =	vld [tilespmem:s22+$0x0];
	_ =	sdelay $0x3  }
0x90: {  	v5 =	vadd.f32 v6, v5  }
0x91: {  	vm4 =	vne.s32 v7, $0xFFFFFFFF  }
0x92: {  	(xrf2) =	vadd.seg.scan.f32 vm4, v5;
	_ =	sdelay $0x3  }
0x93: {  	s31 =	sadd.s32 $0x5EC0, s0;
	v5 =	vperm.xlane v4, v1  }
0x94: {  	v6 =	vld [tilespmem:s31+$0x0]  }
0x95: {  	vm5 =	veq.s32 v7, v3;
	vm6 =	veq.s32 v7, v5  }
0x96: {  	vm7 =	vgt.u32 v7, $0xFFFFFFFD;
	vm6 =	vmor vm6, vm5  }
0x97: {  	vm6 =	vmor vm6, vm7  }
0x98: {  	v9 =	vld [tilespmem:$0xA0];
	v7 =	vsel vm6, $0xFFFFFFFF, v7  }
0x99: {  	v10 =	vld [tilespmem:$0x90];
	v6 =	vsel vm5, $0x0, v6;
	v8, _, _ =	vpop (xrf2)  }
0x9a: {  	v6 =	vadd.f32 v8, v6  }
0x9b: {  	s0 =	sadd.s32 $0xDBC0, s0  }
0x9c: {  	vm4 =	vmand vm4, vm3;
	[tilespmem:s0+$0x0] =	vst v6;
	(ifvalue) =	ssetifvalue $0xFFFFFFFF  }
0x9d: {  	vm6 =	veq.s32 v9, $0x1;
	[hbm4b:s1+s16] =	stream.indirect_vreg.scatter [tilespmem:s0], [sflag:$0x2], $0x1, v7, vm0, $0x4038;
	v7 =	vsel vm4, $0x0, v8;
	[tilespmem:$0x11A60] =	vst v63  }
0x9e: {  	s2 =	simm.s32 $0x0;
	s22 =	sadd.s32 $0x10, s22;
	vm4 =	vmor vm6, vm5;
	v6 =	vsel vm5, v8, v10;
	v7 =	vshift.insert v7, v0, s21  }
.LBB2_7:
0x9f: {  	v8 =	vld [tilespmem:s22+$0x0];
	s30 =	sadd.s32 $0x10, s30  }
0xa0: {  	s31 =	sadd.s32 $0x10, s31;
	v9 =	vld [tilespmem:s30+$0x0]  }
0xa1: {  	s2 =	sadd.s32 $0x10, s2;
	v10 =	vld [tilespmem:s31+$0x0]  }
0xa2: {  	p2 =	slt.u32 s2, $0x1F30;
	_ =	sdelay $0x2  }
0xa3: {  	v7 =	vadd.f32 v9, v7  }
0xa4: {  	vm5 =	vne.s32 v8, $0xFFFFFFFF  }
0xa5: {  	vm6 =	vmand vm5, vm3;
	(xrf2) =	vadd.seg.scan.f32 vm5, v7;
	_ =	sdelay $0x5  }
0xa6: {  	vm7 =	veq.s32 v8, v5;
	vm5 =	veq.s32 v8, v3  }
0xa7: {  	vm8 =	vgt.u32 v8, $0xFFFFFFFD;
	vm4 =	vmor vm4, vm5;
	vm7 =	vmor vm7, vm5  }
0xa8: {  	vm7 =	vmor vm7, vm8  }
0xa9: {  	v8 =	vsel vm7, $0xFFFFFFFF, v8  }
.Ltmp5:
0xaa: {  	v7 =	vsel vm5, $0x0, v10;
	v9, _, _ =	vpop (xrf2);
	(pc) =	sbr.rel @p2 .LBB2_7-.Ltmp5, $4  }
0xab: {  	v6 =	vsel vm5, v9, v6;
	v10 =	vadd.f32 v9, v7;
	v7 =	vsel vm6, $0x0, v9  }
0xac: {  	s0 =	sadd.s32 $0x10, s0;
	v7 =	vshift.insert v7, v0, s21  }
0xad: {  	s22 =	sadd.s32 $0x10, s22;
	[tilespmem:s0+$0x0] =	vst v10;
	(ifvalue) =	ssetifvalue $0xFFFFFFFF  }
0xae: {  	[hbm4b:s1+s16] =	stream.indirect_vreg.scatter [tilespmem:s0], [sflag:$0x2], $0x1, v8, vm0, $0x4038;
	[tilespmem:$0x11A60] =	vst v63  }
0xaf: {  	v3 =	vld [tilespmem:s29+$0xFAF0];
	_ =	sdelay $0x4  }
0xb0: {  	v3 =	vshift.insert v3, v0, s21  }
0xb1: {  	s0 =	simm.s32 $0x30  }
0xb2: {  	[tilespmem:s0+$0x0] =	vst.msk $0x1, v3  }
0xb3: {  	v3 =	vsel vm4, $0x1, v1;
	[tilespmem:$0x90] =	vst v6  }
0xb4: {  	s0 =	sadd.s32 @!p1 $0xFAFF, s29;
	[tilespmem:$0xA0] =	vst v3  }
0xb5: {  	[spmem:s14] =	stream.linear.scatter @!p1 [tilespmem:s0], [sflag:$0x1], $0x1, $0x38;
	[tilespmem:$0x11A60] =	vst v63  }
0xb6: {  	s0 =	simm.s32 @!p1 $0x1  }
0xb7: {  	v3 =	vmctz.xlane @!p1 vm4;
	_ =	swait.ge @!p1 [sflag:s0], $0x1  }
0xb8: {  	(v2sf) =	vpush @!p1 v4, $0x0  }
0xb9: {  	(v2sf) =	vpush @!p1 v3, $0x0;
	_ =	sdelay $0xd  }
0xba: {  	s2 =	spop @!p1 (v2sf)  }
0xbb: {  	s22 =	spop @!p1 (v2sf)  }
0xbc: {  	p2 =	sne.s32 @!p1 s28, s2;
	p3 =	slt.s32 @!p1 s22, $0xF  }
0xbd: {  	[sflag:s0] =	ssyncset.done @!p1 $0x0;
	p2 =	por p2, p1;
	p3 =	por !p3, p1  }
0xbe: {  	[sflag:s0] =	ssyncadd.s32 @!p1 $0xFFFFFFFF;
	v3 =	vimm.s32 @!p2 $0xFFFFFFFF;
	s22 =	simm.s32 @p3 $0xF  }
0xbf: {  	[tilespmem:$0x80] =	vst @!p2 v3;
	s2 =	sadd.s32 @!p1 $0x90, s22  }
0xc0: {  	[spmem:s10] =	stream.linear.scatter @!p1 [tilespmem:s2], [sflag:$0x1], $0x1, $0x38;
	[tilespmem:$0x11A60] =	vst v63  }
0xc1: {  	_ =	swait.ge @!p1 [sflag:s0], $0x1  }
0xc2: {  	[sflag:s0] =	ssyncset.done @!p1 $0x0  }
0xc3: {  	s2 =	simm.s32 @!p1 $0x80;
	[sflag:s0] =	ssyncadd.s32 @!p1 $0xFFFFFFFF  }
0xc4: {  	[spmem:s15] =	stream.linear.scatter @!p1 [tilespmem:s2], [sflag:$0x1], $0x1, $0x38;
	[tilespmem:$0x11A60] =	vst v63  }
0xc5: {  	_ =	swait.ge @!p1 [sflag:s0], $0x1  }
0xc6: {  	[sflag:s0] =	ssyncset.done @!p1 $0x0  }
0xc7: {  	[sflag:s0] =	ssyncadd.s32 @!p1 $0xFFFFFFFF;
	(ifvalue) =	ssetifvalue $0xFFFFFFFF;
	v3 =	vld [tilespmem:s25+$0x10];
	_ =	sdelay $0x3  }
.Ltmp6:
0xc8: {  	_ = 	snop;
	(pc) =	sbr.rel .LBB2_9-.Ltmp6, $3  }
0xc9: {  	_ =	sdelay $0x1  }
0xca: {  	(ifvalue) =	ssetifvalue $0xFFFFFFFF  }
0xcb: {  	[hbm4b:s1+s16] =	stream.indirect_vreg.scatter [tilespmem:s26], [sflag:$0x9], $0x1, v3, vm0, $0x4038;
	[tilespmem:$0x11A60] =	vst v63  }
.LBB2_10:
0xcc: {  	_ =	sfence.sel $0x180000  }
0xcd: {  	s0 =	simm.s32 $0x7;
	[bflag:$0x0] =	sbarrier.arrive $0xFFFF  }
0xce: {  	s26 =	simm.s32 $0x8;
	[sflag:s0] =	ssyncpa.u1 $0x1  }
0xcf: {  	s28 =	simm.s32 $0x9;
	[sflag:s26] =	ssyncpa.u1 $0x1  }
0xd0: {  	[sflag:s28] =	ssyncpa.u1 $0x1  }
0xd1: {  	_ =	sfence.stream.spmem  }
0xd2: {  	s29 =	simm.s32 $0x3;
	[bflag:$0x0] =	sbarrier.arrive $0xFFFF  }
0xd3: {  	s30 =	simm.s32 $0x4;
	[sflag:s29] =	ssyncpa.u1 $0x1  }
0xd4: {  	s31 =	simm.s32 $0x3C;
	s2 =	stileid.u32;
	[sflag:s30] =	ssyncpa.u1 $0x1  }
0xd5: {  	p0 =	sne.s32 s2, $0x0;
	[sflag:s31] =	ssyncpa.u1 $0x1  }
0xd6: {  	s0 =	simm.s32 @p0 $0x1;
	_ =	sfence @p0  }
0xd7: {  	[sflag:s0] =	ssyncpa.u1 @p0 $0x1;
	s0 =	simm.s32 @p0 $0x2  }
0xd8: {  	[sflag:s0] =	ssyncpa.u1 @p0 $0x1  }
0xd9: {  	_ =	strace @p0 $0x9000004A  }
0xda: {  	[bflag:$0x2] =	sbarrier.arrive @p0 $0xFFFF  }
0xdb: {  	_ =	shalt @p0  }
.LBB2_11:
0xdc: {  	_ =	sfence.stream.spmem;
	s0 =	simm.s32 $0x5  }
0xdd: {  	s2 =	simm.s32 $0x80;
	s3 =	simm.s32 $0xC0;
	[sflag:s0] =	ssyncpa.u1 $0x0  }
0xde: {  	[tilespmem:s3], [sflag:$0x5] =	stream.linear.gather [spmem:s2], $0x20, $0x38;
	[tilespmem:$0x11A60] =	vst v63  }
0xdf: {  	s2 =	simm.s32 $0x0;
	s3 =	simm.s32 $0xE0  }
0xe0: {  	[tilespmem:s3], [sflag:$0x5] =	stream.linear.gather [spmem:s2], $0x20, $0x38;
	[tilespmem:$0x11A60] =	vst v63  }
.Ltmp7:
0xe1: {  	_ = 	snop;
	(pc) =	sbr.rel .LBB2_12-.Ltmp7, $4  }
0xe2: {  	_ =	swait.ge [sflag:s0], $0x40  }
0xe3: {  	[sflag:s0] =	ssyncset.done $0x0  }
0xe4: {  	s31 =	simm.s32 $0x6;
	[sflag:s0] =	ssyncadd.s32 $0xFFFFFFC0  }
0xe5: {  	s4 =	simm.s32 $0x0;
	[sflag:s31] =	ssyncpa.u1 $0x0  }
.LBB2_17:
0xe6: {  	p0 =	sgt.u32 s5, $0x63FFFFF  }
0xe7: {  	s0 =	sshrl.u32 @!p0 s5, $0x3  }
0xe8: {  	s5 =	sand.u32 @!p0 $0x7, s5;
	s6 =	simm.s32 @!p0 $0xB0;
	s0 =	sadd.s32 @!p0 s1, s0  }
0xe9: {  	[tilespmem:s6], [sflag:$0x6] =	stream.linear.gather @!p0 [hbm4b:s0+s5], $0x1, $0x38;
	[tilespmem:$0x11A60] =	vst v63  }
0xea: {  	s0 =	simm.s32 @!p0 $0x6  }
0xeb: {  	_ =	swait.ge @!p0 [sflag:s0], $0x1  }
0xec: {  	[sflag:s0] =	ssyncset.done @!p0 $0x0  }
0xed: {  	[sflag:s0] =	ssyncadd.s32 @!p0 $0xFFFFFFFF  }
0xee: {  	v2 =	vmov @!p0 s4;
	v1 =	vld.msk @!p0 [tilespmem:$0xB0], $0x1;
	_ =	sdelay $0x3  }
0xef: {  	s0 =	simm.s32 @!p0 $0xE0  }
0xf0: {  	[tilespmem:v2+s0+$0x0], v1 =	vst.idx.ret.add.f32.msk @!p0 $0x1, v1  }
0xf1: {  	[tilespmem:s2+$0xC0] =	vst.msk $0x1, v0  }
0xf2: {  	v0 =	vld.msk [tilespmem:s4+$0xE0], $0x1;
	_ =	sdelay $0x4  }
0xf3: {  	[tilespmem:s2+$0xE0] =	vst.msk $0x1, v0;
	s2 =	sadd.s32 $0x1, s2  }
.LBB2_19:
0xf4: {  	s4 =	sadd.s32 $0x1, s4  }
0xf5: {  	p0 =	sne.s32 s4, $0x20  }
.Ltmp8:
0xf6: {  	_ = 	snop;
	(pc) =	sbr.rel @!p0 .LBB2_20-.Ltmp8, $1  }
0xf7: {  	_ =	sdelay $0x3  }
.LBB2_12:
0xf8: {  	v0 =	vld.msk [tilespmem:s4+$0xC0], $0x1;
	_ =	sdelay $0x4  }
0xf9: {  	(v2sf) =	vpush v0, $0x0;
	_ =	sdelay $0xe  }
0xfa: {  	s5 =	spop (v2sf)  }
0xfb: {  	p0 =	seq.s32 s5, $0xFFFFFFFF  }
.Ltmp9:
0xfc: {  	_ = 	snop;
	(pc) =	sbr.rel @p0 .LBB2_19-.Ltmp9, $1  }
0xfd: {  	_ =	sdelay $0x3  }
0xfe: {  	p0 =	slt.s32 s2, $0x1  }
.Ltmp10:
0xff: {  	_ = 	snop;
	(pc) =	sbr.rel @p0 .LBB2_17-.Ltmp10, $1  }
0x100: {  	_ =	sdelay $0x3  }
0x101: {  	s0 =	simm.s32 $0xC0;
	p0 =	por $0x0, $0x0  }
0x102: {  	v1 =	vld.msk @!p0 [tilespmem:s0+$0x0], $0x1;
	_ =	sdelay $0x4  }
0x103: {  	(v2sf) =	vpush @!p0 v1, $0x0;
	_ =	sdelay $0xd  }
0x104: {  	p2 =	sne.s32 s2, $0x1  }
.Ltmp11:
0x105: {  	s6 =	spop @!p0 (v2sf);
	(pc) =	sbr.rel @!p2 .LBB2_16-.Ltmp11, $4  }
0x106: {  	p1 =	seq.s32 @!p0 s5, s6  }
0x107: {  	s6 =	simm.s32 $0x0;
	p1 =	por !p1, p0  }
0x108: {  	s8 =	simm.s32 $0xFFFFFFFF;
	s6 =	simm.s32 @p1 $0xFFFFFFFF  }
0x109: {  	s7 =	simm.s32 $0x1;
	s6 =	smov.u32 @p0 s8  }
.LBB2_15:
0x10a: {  	s8 =	smov.u32 s6;
	p0 =	sne.s32 s6, $0xFFFFFFFF  }
0x10b: {  	s0 =	sadd.s32 $0x1, s0;
	s6 =	smov.u32 s7;
	s7 =	sadd.s32 $0x1, s7  }
0x10c: {  	p1 =	sne.s32 s2, s7;
	v1 =	vld.msk @!p0 [tilespmem:s0+$0x0], $0x1;
	_ =	sdelay $0x4  }
0x10d: {  	(v2sf) =	vpush @!p0 v1, $0x0;
	_ =	sdelay $0xe  }
.Ltmp12:
0x10e: {  	s9 =	spop @!p0 (v2sf);
	(pc) =	sbr.rel @p1 .LBB2_15-.Ltmp12, $4  }
0x10f: {  	p2 =	seq.s32 @!p0 s5, s9  }
0x110: {  	p2 =	por !p2, p0  }
0x111: {  	s6 =	simm.s32 @p2 $0xFFFFFFFF  }
0x112: {  	s6 =	smov.u32 @p0 s8  }
.LBB2_16:
0x113: {  	p0 =	sne.s32 s6, $0xFFFFFFFF  }
.Ltmp13:
0x114: {  	_ = 	snop;
	(pc) =	sbr.rel @!p0 .LBB2_17-.Ltmp13, $1  }
0x115: {  	_ =	sdelay $0x3  }
0x116: {  	v0 =	vld.msk [tilespmem:s4+$0xE0], $0x1;
	v1 =	vmov s6  }
.Ltmp14:
0x117: {  	_ = 	snop;
	(pc) =	sbr.rel .LBB2_19-.Ltmp14, $2  }
0x118: {  	_ =	sdelay $0x2  }
0x119: {  	[tilespmem:v1+s3+$0x0], v0 =	vst.idx.ret.add.f32.msk $0x1, v0  }
.LBB2_20:
0x11a: {  	p0 =	slt.s32 s2, $0x1  }
.Ltmp15:
0x11b: {  	_ = 	snop;
	(pc) =	sbr.rel @p0 .LBB2_24-.Ltmp15, $3  }
0x11c: {  	_ =	sdelay $0x1  }
0x11d: {  	s0 =	simm.s32 $0x6  }
0x11e: {  	s3 =	simm.s32 $0x0;
	[sflag:s0] =	ssyncpa.u1 $0x1  }
0x11f: {  	s0 =	simm.s32 $0xC0  }
0x120: {  	v0 =	vld.msk [tilespmem:s0+$0x0], $0x1;
	_ =	sdelay $0x4  }
0x121: {  	(v2sf) =	vpush v0, $0x0;
	_ =	sdelay $0xe  }
0x122: {  	s2 =	sadd.s32 $0xFFFFFFFF, s2;
	s4 =	spop (v2sf)  }
0x123: {  	p1 =	sne.s32 s2, $0x0;
	p0 =	sgt.u32 s4, $0x63FFFFF  }
.Ltmp16:
0x124: {  	s5 =	sshrl.u32 @!p0 s4, $0x3;
	(pc) =	sbr.rel @!p1 .LBB2_23-.Ltmp16, $4  }
0x125: {  	s0 =	simm.s32 $0xE0;
	s4 =	sand.u32 @!p0 $0x7, s4;
	s5 =	sadd.s32 @!p0 s1, s5  }
0x126: {  	[hbm4b:s5+s4] =	stream.linear.scatter @!p0 [tilespmem:s0], [sflag:$0x5], $0x1, $0x38;
	[tilespmem:$0x11A60] =	vst v63  }
0x127: {  	s5 =	simm.s32 $0x0  }
0x128: {  	s4 =	simm.s32 $0xC1;
	s5 =	simm.s32 @!p0 $0x4  }
.LBB2_22:
0x129: {  	v0 =	vld.msk [tilespmem:s4+$0x0], $0x1;
	s2 =	sadd.s32 $0xFFFFFFFF, s2;
	s3 =	sadd.s32 s3, s5  }
0x12a: {  	p0 =	sne.s32 s2, $0x0;
	_ =	sdelay $0x3  }
0x12b: {  	(v2sf) =	vpush v0, $0x0;
	_ =	sdelay $0xe  }
.Ltmp17:
0x12c: {  	s6 =	spop (v2sf);
	(pc) =	sbr.rel @p0 .LBB2_22-.Ltmp17, $4  }
0x12d: {  	s5 =	simm.s32 $0x0;
	p1 =	sgt.u32 s6, $0x63FFFFF  }
0x12e: {  	s0 =	sadd.s32 $0x1, s0;
	s5 =	simm.s32 @!p1 $0x4;
	s7 =	sshrl.u32 @!p1 s6, $0x3  }
0x12f: {  	s4 =	sadd.s32 $0x1, s4;
	s6 =	sand.u32 @!p1 $0x7, s6;
	s7 =	sadd.s32 @!p1 s1, s7  }
0x130: {  	[hbm4b:s7+s6] =	stream.linear.scatter @!p1 [tilespmem:s0], [sflag:$0x5], $0x1, $0x38;
	[tilespmem:$0x11A60] =	vst v63  }
.LBB2_23:
0x131: {  	s0 =	sadd.s32 s3, s5  }
0x132: {  	s3 =	sshrl.u32 s0, $0x2  }
.LBB2_24:
0x133: {  	s0 =	simm.s32 $0x5  }
0x134: {  	_ =	swait.ge [sflag:s0], s3  }
0x135: {  	s1 =	ssub.s32 $0x0, s3;
	[sflag:s0] =	ssyncset.done $0x0  }
0x136: {  	[sflag:s0] =	ssyncadd.s32 s1  }
0x137: {  	[sflag:s0] =	ssyncpa.u1 $0x1  }
0x138: {  	s29 =	simm.s32 $0x1;
	_ =	sfence  }
0x139: {  	s30 =	simm.s32 $0x2;
	[sflag:s29] =	ssyncpa.u1 $0x1  }
0x13a: {  	[sflag:s30] =	ssyncpa.u1 $0x1  }
0x13b: {  	_ =	strace $0x9000004A  }
0x13c: {  	[bflag:$0x2] =	sbarrier.arrive $0xFFFF  }
0x13d: {  	s31 =	rddreg [dreg:$0x2]  }
0x13e: {  	s0 =	sadd.s32 $0x100000, s31  }
0x13f: {  	[sflag:s0] =	ssyncadd.tile.s32 $0x1;
	_ =	shalt  }
.Lfunc_end2:
_tile_overlayer_lowered:
.L_overlay_start_2:
0x140: {  	(tag) =	ssettag $0x2  }
0x141: {  	s0 =	rddreg [dreg:$0x0];
	s2 =	stileid.u32  }
0x142: {  	s1 =	rddreg [dreg:$0x1];
	p0 =	sne.s32 s2, $0x0  }
0x143: {  	s3 =	rddreg [dreg:$0x2];
	[bflag:$0x3] =	sbarrier.arrive $0xFFFF;
	s2 =	simm.s32 @!p0 $0x1C01  }
0x144: {  	[timem:s3], [sflag:s2] =	dma.local @!p0 [hbm:s0], s1  }
0x145: {  	s0 =	simm.s32 @!p0 $0x1  }
0x146: {  	_ =	swait.ge @!p0 [sflag:s0], s1  }
0x147: {  	s1 =	ssub.s32 @!p0 $0x0, s1;
	[sflag:s0] =	ssyncset.done @!p0 $0x0  }
0x148: {  	[sflag:s0] =	ssyncadd.s32 @!p0 s1  }
0x149: {  	[bflag:$0x3] =	sbarrier.arrive $0xFFFF  }
0x14a: {  	_ =	shalt  }

// kernel: scatter_offload_async_start.2
scs
__scs_entry_jumppad:
0x0: {  	(pc) =	sbr.rel $0x88, $3  }
0x1: {  	(tag) =	ssettag $0x0;
	lr =	simm.s32 $0x1  }
0x2: {  	[smem:$0x3F97] =	sst lr;
	_ =	strace $0xD0000000  }
0x3: {  	_ = 	snop  }
0x4: {  	_ = 	snop  }
0x5: {  	_ = 	snop  }
0x6: {  	_ = 	snop  }
0x7: {  	_ = 	snop  }
__scs_overlays_trampoline_lowered:
0x8: {  	[smem:$0x3FA6] =	sst s0  }
0x9: {  	[smem:$0x3FA7] =	sst s1  }
0xa: {  	[smem:$0x3FA8] =	sst s2  }
0xb: {  	[smem:$0x3FA9] =	sst s3  }
0xc: {  	[smem:$0x3FAA] =	sst s4  }
0xd: {  	[smem:$0x3FAB] =	sst s5  }
0xe: {  	[smem:$0x3FAC] =	sst s6  }
0xf: {  	[smem:$0x3FAD] =	sst s7  }
0x10: {  	[smem:$0x3FAE] =	sst s8  }
0x11: {  	[smem:$0x3FAF] =	sst s9;
	s0 =	simm.s32 @!p0 $0x0  }
0x12: {  	s1 =	sld [smem:$0x3F95];
	s0 =	simm.s32 @p0 $0x1  }
0x13: {  	[smem:$0x3FB0] =	sst s0;
	s0 =	simm.s32 @!p1 $0x0  }
0x14: {  	s2 =	sld [smem:$0x3F94];
	s0 =	simm.s32 @p1 $0x1  }
0x15: {  	[smem:$0x3FB1] =	sst s0;
	s0 =	simm.s32 @!p2 $0x0  }
0x16: {  	s3 =	sld [smem:$0x3FDB];
	s0 =	simm.s32 @p2 $0x1  }
0x17: {  	s4 =	simm.s32 $0x1BF5;
	[smem:$0x3FB3] =	sst s0  }
0x18: {  	s0 =	sld [smem:$0x3F96];
	_ =	swait.ge [sflag:s4], $0x0  }
0x19: {  	s7 =	sld [smem:$0x3F97]  }
0x1a: {  	s8 =	sadd.s32 $0xFFFFE003, lr  }
0x1b: {  	s9 =	sadd.s32 $0xFFFFFEF7, lr;
	s5 =	simm.s32 $0xFFFFFFFF;
	p2 =	slt.u32 s8, $0xFFFFF086  }
0x1c: {  	p1 =	slt.u32 s9, $0xF7A;
	s5 =	simm.s32 @!p2 $0x0  }
0x1d: {  	s5 =	simm.s32 @p1 $0x1;
	p0 =	seq.s32 s7, s2  }
0x1e: {  	s7 =	smul.u32 @!p0 $0xF7A, s2;
	p2 =	seq.s32 @!p0 s5, $0x0  }
0x1f: {  	s9 =	smul.u32 $0xF7A, s1;
	s8 =	simm.s32 @!p0 $0x1BF5;
	p2 =	por !p2, p0  }
0x20: {  	[sflag:s8] =	ssyncset.s32 @!p0 $0xFFFFF086;
	s6 =	sadd.s32 @!p0 s3, s7;
	s7 =	simm.s32 @!p0 $0x108  }
0x21: {  	s3 =	sadd.s32 s3, s9;
	s6 =	sadd.s32 @!p0 $0x88, s6;
	s7 =	simm.s32 @p2 $0x1082  }
0x22: {  	[simem:s7], [sflag:s8] =	dma.local @!p0 [hbm:s6], $0xF7A  }
0x23: {  	s9 =	sor.u32 $0xD0000000, s2;
	s6 =	simm.s32 $0x108;
	_ =	swait.ge @!p0 [sflag:s8], $0x0  }
0x24: {  	s3 =	sadd.s32 $0x88, s3;
	s6 =	simm.s32 @!p1 $0x1082;
	[sflag:s4] =	ssyncset.s32 $0xFFFFF086  }
0x25: {  	[simem:s6], [sflag:s4] =	dma.local [hbm:s3], $0xF7A  }
0x26: {  	[smem:$0x3F97] =	sst s1;
	(tag) =	ssettag s2;
	_ =	strace s9  }
0x27: {  	s1 =	sld [smem:$0x3FA7]  }
0x28: {  	s2 =	sld [smem:$0x3FA8]  }
0x29: {  	s4 =	sld [smem:$0x3FAA]  }
0x2a: {  	p0 =	seq.s32 s5, $0x0;
	s5 =	sld [smem:$0x3FAB]  }
0x2b: {  	s6 =	sld [smem:$0x3FAC]  }
0x2c: {  	s7 =	sld [smem:$0x3FAD]  }
0x2d: {  	s3 =	simm.s32 $0x108;
	s8 =	sld [smem:$0x3FAE]  }
0x2e: {  	s3 =	simm.s32 @!p0 $0x1082;
	s9 =	sld [smem:$0x3FAF]  }
0x2f: {  	lr =	sadd.s32 s0, s3;
	s0 =	sld [smem:$0x3FA6]  }
0x30: {  	s3 =	sld [smem:$0x3FA9]  }
0x31: {  	[smem:$0x3FB2] =	sst s10  }
0x32: {  	s10 =	sld [smem:$0x3FB0];
	_ =	sdelay $0x3  }
0x33: {  	p0 =	seq.s32 s10, $0x1;
	s10 =	sld [smem:$0x3FB2];
	_ =	sdelay $0x3  }
0x34: {  	[smem:$0x3FB2] =	sst s10  }
0x35: {  	s10 =	sld [smem:$0x3FB1];
	_ =	sdelay $0x3  }
0x36: {  	p1 =	seq.s32 s10, $0x1;
	s10 =	sld [smem:$0x3FB2];
	_ =	sdelay $0x3  }
0x37: {  	[smem:$0x3FB2] =	sst s10  }
0x38: {  	s10 =	sld [smem:$0x3FB3]  }
0x39: {  	_ = 	snop;
	(pc) =	sbr.ind lr, $3  }
0x3a: {  	_ = 	snop  }
0x3b: {  	_ = 	snop  }
0x3c: {  	p2 =	seq.s32 s10, $0x1;
	s10 =	sld [smem:$0x3FB2]  }
0x3d: {  	_ =	shalt  }
0x3e: {  	_ =	shalt  }
0x3f: {  	_ =	shalt  }
0x40: {  	_ =	shalt  }
0x41: {  	_ =	shalt  }
0x42: {  	_ =	shalt  }
0x43: {  	_ =	shalt  }
0x44: {  	_ =	shalt  }
0x45: {  	_ =	shalt  }
0x46: {  	_ =	shalt  }
0x47: {  	_ =	shalt  }
0x48: {  	_ =	shalt  }
0x49: {  	_ =	shalt  }
0x4a: {  	_ =	shalt  }
0x4b: {  	_ =	shalt  }
0x4c: {  	_ =	shalt  }
0x4d: {  	_ =	shalt  }
0x4e: {  	_ =	shalt  }
0x4f: {  	_ =	shalt  }
0x50: {  	_ =	shalt  }
0x51: {  	_ =	shalt  }
0x52: {  	_ =	shalt  }
0x53: {  	_ =	shalt  }
0x54: {  	_ =	shalt  }
0x55: {  	_ =	shalt  }
0x56: {  	_ =	shalt  }
0x57: {  	_ =	shalt  }
0x58: {  	_ =	shalt  }
0x59: {  	_ =	shalt  }
0x5a: {  	_ =	shalt  }
0x5b: {  	_ =	shalt  }
0x5c: {  	_ =	shalt  }
0x5d: {  	_ =	shalt  }
0x5e: {  	_ =	shalt  }
0x5f: {  	_ =	shalt  }
0x60: {  	_ =	shalt  }
0x61: {  	_ =	shalt  }
0x62: {  	_ =	shalt  }
0x63: {  	_ =	shalt  }
0x64: {  	_ =	shalt  }
0x65: {  	_ =	shalt  }
0x66: {  	_ =	shalt  }
0x67: {  	_ =	shalt  }
0x68: {  	_ =	shalt  }
0x69: {  	_ =	shalt  }
0x6a: {  	_ =	shalt  }
0x6b: {  	_ =	shalt  }
0x6c: {  	_ =	shalt  }
0x6d: {  	_ =	shalt  }
0x6e: {  	_ =	shalt  }
0x6f: {  	_ =	shalt  }
0x70: {  	_ =	shalt  }
0x71: {  	_ =	shalt  }
0x72: {  	_ =	shalt  }
0x73: {  	_ =	shalt  }
0x74: {  	_ =	shalt  }
0x75: {  	_ =	shalt  }
0x76: {  	_ =	shalt  }
0x77: {  	_ =	shalt  }
0x78: {  	_ =	shalt  }
0x79: {  	_ =	shalt  }
0x7a: {  	_ =	shalt  }
0x7b: {  	_ =	shalt  }
0x7c: {  	_ =	shalt  }
0x7d: {  	_ =	shalt  }
0x7e: {  	_ =	shalt  }
0x7f: {  	_ =	shalt  }
0x80: {  	_ =	shalt  }
0x81: {  	_ =	shalt  }
0x82: {  	_ =	shalt  }
0x83: {  	_ =	shalt  }
0x84: {  	_ =	shalt  }
0x85: {  	_ =	shalt  }
0x86: {  	_ =	shalt  }
0x87: {  	_ =	shalt  }
.Lfunc_end0:
.L_simem_size_0:
called_computation.2_lowered:
.L_overlay_start_0:
0x88: {  	s0 =	sld [smem:$0x3FD9]  }
0x89: {  	s1 =	sld [smem:$0x3FFE];
	_ =	sdelay $0x3  }
0x8a: {  	s0 =	sadd.s32 s1, s0  }
0x8b: {  	[smem:$0x3FBE] =	sst s0  }
0x8c: {  	_ = 	snop  }
0x8d: {  	(tm) =	ssettm $0x1  }
0x8e: {  	s15 =	sld [smem:$0x3FFB];
	_ =	sdelay $0x3  }
0x8f: {  	_ =	strace s15  }
0x90: {  	s0 =	sld [smem:$0x3FFC];
	_ =	sdelay $0x3  }
0x91: {  	_ =	strace s0  }
0x92: {  	s0 =	sld [smem:$0x3FFD];
	_ =	sdelay $0x3  }
0x93: {  	_ =	strace s0  }
0x94: {  	_ =	strace $0x8FFFFFFF  }
0x95: {  	s16 =	sld [smem:$0x3FDB];
	_ =	sdelay $0x1  }
0x96: {  	s17 =	simm.s32 $_scs_section_size  }
0x97: {  	s2 =	simm.s32 $_size__tile_overlayer_lowered;
	s3 =	simm.s32 $_tile_overlayer_lowered  }
0x98: {  	s20 =	simm.s32 $0x1BFF;
	s19 =	sshll.u32 s3, $0x1;
	s0 =	sadd.s32 s17, s16  }
0x99: {  	s4 =	simm.s32 $0x0;
	s18 =	sshll.u32 s2, $0x1;
	s2 =	sadd.s32 s19, s0  }
0x9a: {  	[timem:s4], [sflag:s20] =	dma.local [hbm:s2], s18  }
0x9b: {  	_ =	swait.ge [sflag:s20], s18  }
0x9c: {  	s1 =	ssub.s32 $0x0, s18;
	[sflag:s20] =	ssyncset.done $0x0  }
0x9d: {  	[sflag:s20] =	ssyncadd.s32 s1;
	_ =	sdelay $0x1  }
0x9e: {  	s21 =	simm.s32 $0x1B8B  }
0x9f: {  	_ =	swait.ge [sflag:s21], $0x1  }
0xa0: {  	[sflag:s21] =	ssyncset.done $0x0  }
0xa1: {  	s23 =	simm.s32 $0x1B8E;
	s22 =	sld [smem:$0x3FFE];
	[sflag:s21] =	ssyncadd.s32 $0xFFFFFFFF  }
0xa2: {  	s24 =	simm.s32 $execute0_lowered;
	[smem:$0x3FD2] =	sst s23  }
0xa3: {  	s2 =	sshll.u32 s24, $0x1;
	_ =	strace $0x8000004C;
	[dreg:$0x1] =	wrdreg $0xFFFFFFFF  }
0xa4: {  	s25 =	simm.s32 $_size_execute0_lowered;
	s0 =	sadd.s32 s0, s2;
	[dreg:$0x0] =	wrdreg $0x0  }
0xa5: {  	s2 =	sshll.u32 s25, $0x1;
	[dreg:$0x2] =	wrdreg s0  }
0xa6: {  	[dreg:$0x3] =	wrdreg s2  }
0xa7: {  	[dreg:$0x4] =	wrdreg $0xC0  }
0xa8: {  	_ =	task [dreg:s4], $0x5FFFF  }
0xa9: {  	[dreg:$0x1] =	wrdreg $0xFFFFFFFF  }
0xaa: {  	[dreg:$0x0] =	wrdreg $0x60  }
0xab: {  	[dreg:$0x2] =	wrdreg s22  }
0xac: {  	[dreg:$0x3] =	wrdreg $0x9  }
0xad: {  	_ =	task.clear_ibuf [dreg:s4], $0x4FFFF;
	_ =	strace $0x9000004C  }
0xae: {  	s26 =	simm.s32 $0x9;
	_ =	strace $0x8000004E  }
0xaf: {  	_ =	swait.ge [sflag:s26], $0x1  }
0xb0: {  	[sflag:s26] =	ssyncadd.s32 $0xFFFFFFFF  }
0xb1: {  	_ =	strace $0x9000004E  }
0xb2: {  	_ =	sfence  }
0xb3: {  	s28 =	sld [smem:$0x0];
	_ =	sdelay $0x1  }
0xb4: {  	s29 =	srdreg.scid  }
0xb5: {  	s30 =	sshll.u32 s29, $0xD;
	s31 =	sshrl.u32 s29, $0x2  }
0xb6: {  	s1 =	sand.u32 $0x1, s29;
	s2 =	sand.u32 $0x4000, s30;
	s0 =	sadd.s32 s31, s28  }
0xb7: {  	s1 =	sor.u32 s2, s1;
	s0 =	sshll.u32 s0, $0x11  }
0xb8: {  	s0 =	sor.u32 s0, s1  }
0xb9: {  	s0 =	sadd.s32 $0x8F2B, s0  }
0xba: {  	[sflag:s0] =	ssyncadd.remote.s32 $0x1  }
0xbb: {  	_ =	sfence.sel $0xFFFF  }
0xbc: {  	[dreg:$0x0] =	wrdreg $0xFFFFFFFF;
	(pc) =	sbr.abs _section_cstart, $3  }
0xbd: {  	[dreg:$0x1] =	wrdreg $0xFFFFFFFF  }
0xbe: {  	_ =	task.clear_ibuf [dreg:s4], $0x2FFFF;
	_ =	strace $0x9FFFFFFF  }
0xbf: {  	(tm) =	ssettm $0x7FFFFFFF  }
tec
execute0_lowered:
.L_overlay_start_1:
0x0: {  	(tag) =	ssettag $0x1  }
0x1: {  	s3 =	stileid.u32  }
0x2: {  	s6 =	rddreg [dreg:$0x0];
	_ =	strace $0x8000004D;
	s0 =	smin.u32 s3, $0x9  }
0x3: {  	s2 =	simm.s32 $0x1;
	p0 =	slt.u32 s3, $0x9;
	s0 =	sadd.s32 s3, s0  }
0x4: {  	v1 =	vimm.s32 $0xFFFFFFFF;
	[sflag:s2] =	ssyncpa.u1 $0x0;
	s4 =	smul.u32 $0x190, s0;
	s0 =	simm.s32 $0x320  }
0x5: {  	[tilespmem:$0x10] =	vst v1;
	s0 =	simm.s32 @!p0 $0x190  }
0x6: {  	v0 =	vimm.f32 $0.0e+00;
	[tilespmem:$0x20] =	vst v1;
	s0 =	sadd.s32 s0, s4  }
0x7: {  	[tilespmem:$0x30] =	vst v0;
	s5 =	smin.u32 s0, $0x2710  }
0x8: {  	[tilespmem:$0x40] =	vst v0;
	s0 =	ssub.s32 s5, s4  }
0x9: {  	[tilespmem:$0x50] =	vst v0;
	p0 =	sgt.s32 s0, $0x0  }
0xa: {  	s7 =	simm.s32 $0x2;
	s8 =	simm.s32 $0x8;
	[tilespmem:$0x60] =	vst v1;
	s0 =	simm.s32 @!p0 $0x0  }
0xb: {  	s31 =	simm.s32 $0x9;
	s16 =	simm.s32 $0x0;
	[tilespmem:$0x70] =	vst v1;
	s1 =	sand.u32 $0xFFF0, s0  }
0xc: {  	s17 =	simm.s32 $0xF0;
	s18 =	simm.s32 $0xFFFFFFFF;
	[tilespmem:$0x80] =	vst v1;
	s1 =	sshrl.u32 s1, $0x4  }
0xd: {  	s19 =	simm.s32 $0xFFFFFDE0;
	s20 =	simm.s32 $0xFFFFFFFE;
	v1 =	vimm.s32 $0x0;
	[tilespmem:$0xB0] =	vst v0;
	s1 =	smul.u32 $0xA3E, s1  }
0xe: {  	s21 =	simm.s32 $0xF;
	s25 =	simm.s32 $0x0;
	s24 =	simm.s32 $0x0;
	[tilespmem:$0x90] =	vst v1  }
0xf: {  	[tilespmem:$0xA0] =	vst v1;
	[sflag:s7] =	ssyncpa.u1 $0x0;
	s7 =	simm.s32 $0x7;
	s9 =	sshrl.u32 s1, $0x10  }
0x10: {  	s14 =	sshllo.u32 s3, $0x1;
	[sflag:s7] =	ssyncpa.u1 $0x0;
	s10 =	smul.u32 $0x190, s9  }
.Ltmp0:
0x11: {  	[sflag:s8] =	ssyncpa.u1 $0x0;
	s23 =	smov.u32 s4;
	(pc) =	sbr.rel .LBB2_1-.Ltmp0, $4  }
0x12: {  	[sflag:s31] =	ssyncpa.u1 $0x0;
	s1 =	sadd.s32 $0x5C00, s6;
	p0 =	sne.s32 s0, s10  }
0x13: {  	s6 =	sadd.s32 $0x5600, s6;
	s10 =	sshll.u32 s3, $0x1;
	s2 =	simm.s32 @!p0 $0x0  }
0x14: {  	vm0 =	vmmov $0xffff;
	v2 =	vlaneseq.u32;
	s13 =	sor.u32 $0x81, s10;
	s15 =	sor.u32 $0x80, s10;
	s9 =	sadd.s32 s9, s2  }
0x15: {  	vm1 =	vmxor vm1, vm1;
	vm2 =	vmmov $0x1;
	vm3 =	vcmask $0x3F3C;
	p0 =	por $0x0, $0x0;
	s11 =	sadd.s32 $0x1, s9;
	s12 =	sadd.s32 $0x2, s9  }
.LBB2_9:
0x16: {  	p1 =	slt.u32 s24, $0x3  }
0x17: {  	s0 =	simm.s32 @!p1 $0x2  }
0x18: {  	_ =	swait.ge @!p1 [sflag:s0], $0x190  }
0x19: {  	[sflag:s0] =	ssyncset.done @!p1 $0x0  }
0x1a: {  	[sflag:s0] =	ssyncadd.s32 @!p1 $0xFFFFFE70;
	s0 =	simm.s32 @!p1 $0x9  }
0x1b: {  	_ =	swait.ge @!p1 [sflag:s0], $0x10  }
0x1c: {  	[sflag:s0] =	ssyncset.done @!p1 $0x0  }
0x1d: {  	[sflag:s0] =	ssyncadd.s32 @!p1 $0xFFFFFFF0;
	p1 =	sne.s32 s24, s12  }
.Ltmp1:
0x1e: {  	s2 =	sadd.s32 $0x190, s23;
	(pc) =	sbr.rel @!p1 .LBB2_10-.Ltmp1, $4  }
0x1f: {  	s3 =	smov.u32 s4;
	s31 =	sadd.s32 $0x1, s24;
	s17 =	sadd.s32 $0x190, s17  }
0x20: {  	s18 =	sadd.s32 $0x1, s18;
	s25 =	smov.u32 s23;
	p2 =	slt.s32 s2, s5  }
0x21: {  	p0 =	por !p0, !p0;
	s19 =	sadd.s32 $0x190, s19;
	s3 =	smov.u32 @p2 s2  }
0x22: {  	s20 =	sadd.s32 $0x1, s20;
	s23 =	smov.u32 s3;
	s24 =	smov.u32 s31  }
.LBB2_1:
0x23: {  	p1 =	sge.u32 s24, s9  }
0x24: {  	s0 =	smulhi.u32 @!p1 $0xAAAAAAAB, s24;
	_ =	sdelay $0x1  }
0x25: {  	s0 =	sshrl.u32 @!p1 s0, $0x1  }
0x26: {  	s0 =	smul.u32 @!p1 $0x3, s0;
	_ =	sdelay $0x1  }
0x27: {  	s0 =	ssub.s32 @!p1 s24, s0  }
0x28: {  	s0 =	smul.u32 @!p1 $0x640, s0;
	_ =	sdelay $0x1  }
0x29: {  	s3 =	rddreg [dreg:$0x0];
	s2 =	sshrl.u32 @!p1 s23, $0x3;
	s0 =	sshrl.u32 @!p1 s0, $0x2  }
0x2a: {  	s22 =	sand.u32 @!p1 $0x7, s23;
	s2 =	sadd.s32 @!p1 s3, s2;
	s0 =	sadd.s32 @!p1 $0x100, s0  }
0x2b: {  	[tilespmem:s0], [sflag:$0x7] =	stream.linear.gather @!p1 [hbm4b:s2+s22], $0x190, $0x38;
	[tilespmem:$0xF30] =	vst v63  }
0x2c: {  	s0 =	sadd.s32 $0xFFFFFFFF, s24  }
0x2d: {  	p1 =	sge.u32 s0, s9  }
.Ltmp2:
0x2e: {  	_ = 	snop;
	(pc) =	sbr.rel @p1 .LBB2_5-.Ltmp2, $1  }
0x2f: {  	_ =	sdelay $0x3  }
0x30: {  	s2 =	smulhi.u32 $0xAAAAAAAB, s0;
	_ =	sdelay $0x1  }
0x31: {  	s2 =	sshrl.u32 s2, $0x1  }
0x32: {  	s2 =	smul.u32 $0x3, s2;
	_ =	sdelay $0x1  }
0x33: {  	s2 =	ssub.s32 s0, s2  }
0x34: {  	s2 =	smul.u32 $0x640, s2  }
0x35: {  	_ =	swait.ge [sflag:s7], $0x190  }
0x36: {  	[sflag:s7] =	ssyncset.done $0x0;
	s2 =	sshrl.u32 s2, $0x2  }
0x37: {  	[sflag:s7] =	ssyncadd.s32 $0xFFFFFE70;
	(ifvalue) =	ssetifvalue $0xFFFFFFFF;
	v3 =	vld.msk [tilespmem:s2+$0x100 ss:$0x1], $0xffff;
	_ =	sdelay $0x2  }
0x38: {  	s30 =	smulhi.u32 $0xAAAAAAAB, s18;
	p1 =	sne.s32 s24, $0x1  }
0x39: {  	v4 =	vimm.s32 @!p1 $0x0  }
0x3a: {  	s2 =	sshrl.u32 s30, $0x1;
	v4 =	vperm.xlane @!p1 v3, v4  }
0x3b: {  	s22 =	sshll.u32 s24, $0x4;
	s2 =	smul.u32 $0xFFFFED40, s2;
	vm4 =	vlt.u32 v3, $0x6400000  }
0x3c: {  	s22 =	sand.u32 $0x10, s22;
	v3 =	vnsel vm4, $0xFFFFFFFE, v3;
	vm4 =	vlt.u32 @!p1 v4, $0x6400000  }
0x3d: {  	s2 =	sshra.s32 s2, $0x2;
	[tilespmem:s22+$0x60] =	vst v3;
	v3 =	vnsel @!p1 vm4, $0xFFFFFFFE, v4  }
0x3e: {  	s28 =	sadd.s32 s2, s17;
	[tilespmem:$0x80] =	vst @!p1 v3  }
0x3f: {  	v3 =	vld.msk [tilespmem:s28+$0x0 ss:$0x1], $0xffff;
	_ =	sdelay $0x4  }
0x40: {  	(xrf1) =	vunique.msk.u32 $0xffff, v3;
	_ =	sdelay $0xd  }
0x41: {  	v4 =	vimm.s32 $0xFFFFFFFF;
	v5, _, _ =	vpop (xrf1)  }
0x42: {  	vm5 =	vne.s32 v3, v4;
	vm4 =	veq.s32 v5, v2  }
0x43: {  	vm6 =	vlt.u32 v3, $0x6400000;
	vm4 =	vmand vm5, vm4  }
0x44: {  	vm4 =	vmand vm6, vm4  }
0x45: {  	v4 =	vnsel vm4, $0xFFFFFFFF, v3  }
0x46: {  	s31 =	sand.u32 $0x1, s0  }
0x47: {  	s0 =	simm.s32 $0x190;
	p1 =	seq.s32 s31, $0x1  }
0x48: {  	s0 =	simm.s32 @!p1 $0x0  }
0x49: {  	s26 =	sadd.s32 $0x730, s0;
	(ifvalue) =	ssetifvalue $0xFFFFFFFF  }
0x4a: {  	v3 =	vperm.xlane v3, v1;
	[tilespmem:s26], [sflag:$0x8] =	stream.indirect_vreg.gather [hbm4b:s1+s16], $0x1, v4, vm0, $0x4038;
	v4 =	vnsel vm6, $0xFFFFFFFE, v4;
	[tilespmem:$0xF30] =	vst v63  }
0x4b: {  	s2 =	simm.s32 $0x0;
	s22 =	sadd.s32 $0xFFFFFFF0, s28;
	[tilespmem:s28+$0x0] =	vst v4  }
.LBB2_3:
0x4c: {  	v4 =	vld.msk [tilespmem:s22+$0x0 ss:$0x1], $0xffff;
	s2 =	sadd.s32 $0x10, s2;
	v5 =	vmov v3;
	s28 =	smov.u32 s22  }
0x4d: {  	p1 =	slt.u32 s2, $0x180;
	_ =	sdelay $0x4  }
0x4e: {  	v3 =	vperm.xlane v4, v1;
	(xrf1) =	vunique.msk.u32 $0xffff, v4;
	_ =	sdelay $0xd  }
0x4f: {  	v6, _, _ =	vpop (xrf1)  }
0x50: {  	vm5 =	vne.s32 v4, v5;
	vm4 =	veq.s32 v6, v2  }
0x51: {  	vm6 =	vlt.u32 v4, $0x6400000;
	vm4 =	vmand vm5, vm4  }
0x52: {  	vm4 =	vmand vm6, vm4  }
0x53: {  	v4 =	vnsel vm4, $0xFFFFFFFF, v4  }
.Ltmp3:
0x54: {  	v5 =	vnsel vm6, $0xFFFFFFFE, v4;
	(pc) =	sbr.rel @p1 .LBB2_3-.Ltmp3, $3  }
0x55: {  	_ =	sdelay $0x1  }
0x56: {  	s22 =	sadd.s32 $0xFFFFFFF0, s22;
	s26 =	sadd.s32 $0xFFFFFFF0, s26;
	(ifvalue) =	ssetifvalue $0xFFFFFFFF  }
0x57: {  	[tilespmem:s26], [sflag:$0x8] =	stream.indirect_vreg.gather [hbm4b:s1+s16], $0x1, v4, vm0, $0x4038;
	[tilespmem:s28+$0x0] =	vst v5  }
0x58: {  	s2 =	sshrl.u32 s25, $0x3  }
0x59: {  	s0 =	sadd.s32 $0x8D0, s0;
	s2 =	sadd.s32 s6, s2  }
0x5a: {  	[tilespmem:s0], [sflag:$0x8] =	stream.linear.gather [hbm:s2], $0x190, $0x38;
	[tilespmem:$0xF30] =	vst v63  }
.LBB2_5:
0x5b: {  	p1 =	slt.u32 s24, $0x2  }
0x5c: {  	p2 =	sge.u32 @!p1 s24, s12  }
0x5d: {  	p1 =	por p1, p2  }
.Ltmp4:
0x5e: {  	_ = 	snop;
	(pc) =	sbr.rel @p1 .LBB2_9-.Ltmp4, $1  }
0x5f: {  	_ =	sdelay $0x3  }
0x60: {  	s0 =	sadd.s32 $0xFFFFFFFE, s24  }
0x61: {  	s2 =	smulhi.u32 $0xAAAAAAAB, s0;
	_ =	sdelay $0x1  }
0x62: {  	s2 =	sshrl.u32 s2, $0x1  }
0x63: {  	s2 =	smul.u32 $0x3, s2;
	_ =	sdelay $0x1  }
0x64: {  	s0 =	ssub.s32 s0, s2  }
0x65: {  	_ =	swait.ge [sflag:s8], $0x320;
	s0 =	smul.u32 $0x190, s0  }
0x66: {  	p1 =	sne.s32 s24, s11;
	[sflag:s8] =	ssyncset.done $0x0  }
0x67: {  	[sflag:s8] =	ssyncadd.s32 $0xFFFFFCE0;
	s2 =	sadd.s32 @!p1 $0x28F, s0  }
0x68: {  	[spmem:s13] =	stream.linear.scatter @!p1 [tilespmem:s2], [sflag:$0x1], $0x1, $0x38;
	[tilespmem:$0xF30] =	vst v63  }
0x69: {  	s2 =	simm.s32 @!p1 $0x1  }
0x6a: {  	_ =	swait.ge @!p1 [sflag:s2], $0x1  }
0x6b: {  	s22 =	sshll.u32 s24, $0x4;
	[sflag:s2] =	ssyncset.done @!p1 $0x0  }
0x6c: {  	s25 =	sand.u32 $0x10, s22;
	[sflag:s2] =	ssyncadd.s32 @!p1 $0xFFFFFFFF  }
0x6d: {  	s2 =	sxor.u32 $0x10, s25;
	v4 =	vld [tilespmem:s25+$0x10]  }
0x6e: {  	v5 =	vld [tilespmem:s2+$0x60]  }
0x6f: {  	v3 =	vld [tilespmem:$0x80];
	_ =	sdelay $0x2  }
0x70: {  	(v2sf) =	vpush v4, $0x0  }
0x71: {  	(v2sf) =	vpush v5, $0x0  }
0x72: {  	(v2sf) =	vpush v3, $0x0;
	_ =	sdelay $0xc  }
0x73: {  	s3 =	spop (v2sf)  }
0x74: {  	s28 =	spop (v2sf)  }
0x75: {  	s26 =	spop (v2sf)  }
0x76: {  	p2 =	seq.s32 s3, s28;
	p3 =	seq.s32 s26, s3  }
0x77: {  	p3 =	por p2, p3  }
0x78: {  	s3 =	sand.u32 $0x1, s24;
	v4 =	vpsel p3, $0xFFFFFFFF, v4  }
0x79: {  	s28 =	smul.u32 $0x190, s3;
	[tilespmem:s25+$0x10] =	vst.msk $0x1, v4  }
0x7a: {  	v4 =	vld [tilespmem:$0x30]  }
0x7b: {  	v5 =	vld [tilespmem:s28+$0x8D0]  }
0x7c: {  	v6 =	vld [tilespmem:s25+$0x40];
	_ =	sdelay $0x3  }
0x7d: {  	vm4 =	vmmov vm1;
	v5 =	vadd.f32 v5, v4  }
0x7e: {  	vm5 =	vmmov vm2;
	vm4 =	vmmov @p2 vm2;
	v4 =	vadd.f32 v6, v4  }
0x7f: {  	s22 =	sshll.u32 s3, $0x4;
	vm5 =	vmmov @p3 vm1;
	[tilespmem:s28+$0x8D0] =	vst.msk vm4, v5  }
0x80: {  	[tilespmem:s22+$0xF10] =	vst.msk vm5, v4  }
0x81: {  	v4 =	vld [tilespmem:s28+$0x730];
	_ =	sdelay $0x3  }
0x82: {  	v5 =	vimm.f32 $0.0e+00  }
0x83: {  	v4 =	vshift.insert v4, v5, s21  }
0x84: {  	s29 =	sor.u32 $0x40, s2  }
0x85: {  	[tilespmem:s29+$0x0] =	vst.msk $0x1, v4  }
0x86: {  	[tilespmem:s28+$0x73F] =	vst.msk $0x1, v5  }
0x87: {  	v4 =	vld [tilespmem:s0+$0x280];
	_ =	sdelay $0x1  }
0x88: {  	s29 =	smulhi.u32 $0xAAAAAAAB, s20;
	s0 =	simm.s32 $0x1  }
0x89: {  	s0 =	simm.s32 @!p0 $0x0  }
0x8a: {  	s29 =	sshrl.u32 s29, $0x1;
	s0 =	smul.u32 $0x640, s0  }
0x8b: {  	s29 =	smul.u32 $0xFFFFED40, s29;
	v4 =	vshift.insert v4, v1, s21  }
0x8c: {  	s0 =	sshrl.u32 s0, $0x2  }
0x8d: {  	s29 =	sshra.s32 s29, $0x2;
	s30 =	sadd.s32 $0x8D0, s0;
	[tilespmem:s2+$0x10] =	vst.msk $0x1, v4  }
0x8e: {  	s3 =	sadd.s32 s29, s19;
	v6 =	vld [tilespmem:s30+$0x0]  }
0x8f: {  	v7 =	vld [tilespmem:s3+$0x0];
	_ =	sdelay $0x3  }
0x90: {  	v5 =	vadd.f32 v6, v5  }
0x91: {  	vm4 =	vne.s32 v7, $0xFFFFFFFF  }
0x92: {  	(xrf2) =	vadd.seg.scan.f32 vm4, v5;
	_ =	sdelay $0x3  }
0x93: {  	s31 =	sadd.s32 $0x5B0, s0;
	v5 =	vperm.xlane v4, v1  }
0x94: {  	v6 =	vld [tilespmem:s31+$0x0]  }
0x95: {  	vm5 =	veq.s32 v7, v3;
	vm6 =	veq.s32 v7, v5  }
0x96: {  	vm7 =	vgt.u32 v7, $0xFFFFFFFD;
	vm6 =	vmor vm6, vm5  }
0x97: {  	vm6 =	vmor vm6, vm7  }
0x98: {  	v9 =	vld [tilespmem:$0xA0];
	v7 =	vsel vm6, $0xFFFFFFFF, v7  }
0x99: {  	v10 =	vld [tilespmem:$0x90];
	v6 =	vsel vm5, $0x0, v6;
	v8, _, _ =	vpop (xrf2)  }
0x9a: {  	v6 =	vadd.f32 v8, v6  }
0x9b: {  	s0 =	sadd.s32 $0xBF0, s0  }
0x9c: {  	vm4 =	vmand vm4, vm3;
	[tilespmem:s0+$0x0] =	vst v6;
	(ifvalue) =	ssetifvalue $0xFFFFFFFF  }
0x9d: {  	vm6 =	veq.s32 v9, $0x1;
	[hbm4b:s1+s16] =	stream.indirect_vreg.scatter [tilespmem:s0], [sflag:$0x2], $0x1, v7, vm0, $0x4038;
	v7 =	vsel vm4, $0x0, v8;
	[tilespmem:$0xF30] =	vst v63  }
0x9e: {  	s29 =	sadd.s32 $0xF10, s22;
	s22 =	sadd.s32 $0x10, s3;
	s2 =	simm.s32 $0x0;
	vm4 =	vmor vm6, vm5;
	v6 =	vsel vm5, v8, v10;
	v7 =	vshift.insert v7, v0, s21  }
.LBB2_7:
0x9f: {  	v8 =	vld [tilespmem:s22+$0x0];
	s30 =	sadd.s32 $0x10, s30  }
0xa0: {  	s31 =	sadd.s32 $0x10, s31;
	v9 =	vld [tilespmem:s30+$0x0]  }
0xa1: {  	s2 =	sadd.s32 $0x10, s2;
	v10 =	vld [tilespmem:s31+$0x0]  }
0xa2: {  	p2 =	slt.u32 s2, $0x180;
	_ =	sdelay $0x2  }
0xa3: {  	v7 =	vadd.f32 v9, v7  }
0xa4: {  	vm5 =	vne.s32 v8, $0xFFFFFFFF  }
0xa5: {  	vm6 =	vmand vm5, vm3;
	(xrf2) =	vadd.seg.scan.f32 vm5, v7;
	_ =	sdelay $0x5  }
0xa6: {  	vm7 =	veq.s32 v8, v5;
	vm5 =	veq.s32 v8, v3  }
0xa7: {  	vm8 =	vgt.u32 v8, $0xFFFFFFFD;
	vm4 =	vmor vm4, vm5;
	vm7 =	vmor vm7, vm5  }
0xa8: {  	vm7 =	vmor vm7, vm8  }
0xa9: {  	v8 =	vsel vm7, $0xFFFFFFFF, v8  }
.Ltmp5:
0xaa: {  	v7 =	vsel vm5, $0x0, v10;
	v9, _, _ =	vpop (xrf2);
	(pc) =	sbr.rel @p2 .LBB2_7-.Ltmp5, $4  }
0xab: {  	v6 =	vsel vm5, v9, v6;
	v10 =	vadd.f32 v9, v7;
	v7 =	vsel vm6, $0x0, v9  }
0xac: {  	s0 =	sadd.s32 $0x10, s0;
	v7 =	vshift.insert v7, v0, s21  }
0xad: {  	s22 =	sadd.s32 $0x10, s22;
	[tilespmem:s0+$0x0] =	vst v10;
	(ifvalue) =	ssetifvalue $0xFFFFFFFF  }
0xae: {  	[hbm4b:s1+s16] =	stream.indirect_vreg.scatter [tilespmem:s0], [sflag:$0x2], $0x1, v8, vm0, $0x4038;
	[tilespmem:$0xF30] =	vst v63  }
0xaf: {  	v3 =	vld [tilespmem:s28+$0xD70];
	_ =	sdelay $0x4  }
0xb0: {  	v3 =	vshift.insert v3, v0, s21  }
0xb1: {  	s0 =	simm.s32 $0x30  }
0xb2: {  	[tilespmem:s0+$0x0] =	vst.msk $0x1, v3  }
0xb3: {  	v3 =	vsel vm4, $0x1, v1;
	[tilespmem:$0x90] =	vst v6  }
0xb4: {  	s0 =	sadd.s32 @!p1 $0xD7F, s28;
	[tilespmem:$0xA0] =	vst v3  }
0xb5: {  	[spmem:s14] =	stream.linear.scatter @!p1 [tilespmem:s0], [sflag:$0x1], $0x1, $0x38;
	[tilespmem:$0xF30] =	vst v63  }
0xb6: {  	s0 =	simm.s32 @!p1 $0x1  }
0xb7: {  	v3 =	vmctz.xlane @!p1 vm4;
	_ =	swait.ge @!p1 [sflag:s0], $0x1  }
0xb8: {  	(v2sf) =	vpush @!p1 v4, $0x0  }
0xb9: {  	(v2sf) =	vpush @!p1 v3, $0x0;
	_ =	sdelay $0xd  }
0xba: {  	s2 =	spop @!p1 (v2sf)  }
0xbb: {  	s3 =	spop @!p1 (v2sf)  }
0xbc: {  	p2 =	sne.s32 @!p1 s26, s2;
	p3 =	slt.s32 @!p1 s3, $0xF  }
0xbd: {  	[sflag:s0] =	ssyncset.done @!p1 $0x0;
	p2 =	por p2, p1;
	p3 =	por !p3, p1  }
0xbe: {  	[sflag:s0] =	ssyncadd.s32 @!p1 $0xFFFFFFFF;
	v3 =	vimm.s32 @!p2 $0xFFFFFFFF;
	s3 =	simm.s32 @p3 $0xF  }
0xbf: {  	[tilespmem:$0x80] =	vst @!p2 v3;
	s2 =	sadd.s32 @!p1 $0x90, s3  }
0xc0: {  	[spmem:s10] =	stream.linear.scatter @!p1 [tilespmem:s2], [sflag:$0x1], $0x1, $0x38;
	[tilespmem:$0xF30] =	vst v63  }
0xc1: {  	_ =	swait.ge @!p1 [sflag:s0], $0x1  }
0xc2: {  	[sflag:s0] =	ssyncset.done @!p1 $0x0  }
0xc3: {  	s2 =	simm.s32 @!p1 $0x80;
	[sflag:s0] =	ssyncadd.s32 @!p1 $0xFFFFFFFF  }
0xc4: {  	[spmem:s15] =	stream.linear.scatter @!p1 [tilespmem:s2], [sflag:$0x1], $0x1, $0x38;
	[tilespmem:$0xF30] =	vst v63  }
0xc5: {  	_ =	swait.ge @!p1 [sflag:s0], $0x1  }
0xc6: {  	[sflag:s0] =	ssyncset.done @!p1 $0x0  }
0xc7: {  	[sflag:s0] =	ssyncadd.s32 @!p1 $0xFFFFFFFF;
	(ifvalue) =	ssetifvalue $0xFFFFFFFF;
	v3 =	vld [tilespmem:s25+$0x10];
	_ =	sdelay $0x3  }
.Ltmp6:
0xc8: {  	_ = 	snop;
	(pc) =	sbr.rel .LBB2_9-.Ltmp6, $3  }
0xc9: {  	_ =	sdelay $0x1  }
0xca: {  	(ifvalue) =	ssetifvalue $0xFFFFFFFF  }
0xcb: {  	[hbm4b:s1+s16] =	stream.indirect_vreg.scatter [tilespmem:s29], [sflag:$0x9], $0x1, v3, vm0, $0x4038;
	[tilespmem:$0xF30] =	vst v63  }
.LBB2_10:
0xcc: {  	_ =	sfence.sel $0x180000  }
0xcd: {  	s0 =	simm.s32 $0x7;
	[bflag:$0x0] =	sbarrier.arrive $0xFFFF  }
0xce: {  	s26 =	simm.s32 $0x8;
	[sflag:s0] =	ssyncpa.u1 $0x1  }
0xcf: {  	s28 =	simm.s32 $0x9;
	[sflag:s26] =	ssyncpa.u1 $0x1  }
0xd0: {  	[sflag:s28] =	ssyncpa.u1 $0x1  }
0xd1: {  	_ =	sfence.stream.spmem  }
0xd2: {  	s29 =	simm.s32 $0x3;
	[bflag:$0x0] =	sbarrier.arrive $0xFFFF  }
0xd3: {  	s30 =	simm.s32 $0x4;
	[sflag:s29] =	ssyncpa.u1 $0x1  }
0xd4: {  	s31 =	simm.s32 $0x3C;
	s2 =	stileid.u32;
	[sflag:s30] =	ssyncpa.u1 $0x1  }
0xd5: {  	p0 =	sne.s32 s2, $0x0;
	[sflag:s31] =	ssyncpa.u1 $0x1  }
0xd6: {  	s0 =	simm.s32 @p0 $0x1;
	_ =	sfence @p0  }
0xd7: {  	[sflag:s0] =	ssyncpa.u1 @p0 $0x1;
	s0 =	simm.s32 @p0 $0x2  }
0xd8: {  	[sflag:s0] =	ssyncpa.u1 @p0 $0x1  }
0xd9: {  	_ =	strace @p0 $0x9000004D  }
0xda: {  	[bflag:$0x2] =	sbarrier.arrive @p0 $0xFFFF  }
0xdb: {  	_ =	shalt @p0  }
.LBB2_11:
0xdc: {  	_ =	sfence.stream.spmem;
	s0 =	simm.s32 $0x5  }
0xdd: {  	s2 =	simm.s32 $0x80;
	s3 =	simm.s32 $0xC0;
	[sflag:s0] =	ssyncpa.u1 $0x0  }
0xde: {  	[tilespmem:s3], [sflag:$0x5] =	stream.linear.gather [spmem:s2], $0x20, $0x38;
	[tilespmem:$0xF30] =	vst v63  }
0xdf: {  	s2 =	simm.s32 $0x0;
	s3 =	simm.s32 $0xE0  }
0xe0: {  	[tilespmem:s3], [sflag:$0x5] =	stream.linear.gather [spmem:s2], $0x20, $0x38;
	[tilespmem:$0xF30] =	vst v63  }
.Ltmp7:
0xe1: {  	_ = 	snop;
	(pc) =	sbr.rel .LBB2_12-.Ltmp7, $4  }
0xe2: {  	_ =	swait.ge [sflag:s0], $0x40  }
0xe3: {  	[sflag:s0] =	ssyncset.done $0x0  }
0xe4: {  	s31 =	simm.s32 $0x6;
	[sflag:s0] =	ssyncadd.s32 $0xFFFFFFC0  }
0xe5: {  	s4 =	simm.s32 $0x0;
	[sflag:s31] =	ssyncpa.u1 $0x0  }
.LBB2_17:
0xe6: {  	p0 =	sgt.u32 s5, $0x63FFFFF  }
0xe7: {  	s0 =	sshrl.u32 @!p0 s5, $0x3  }
0xe8: {  	s5 =	sand.u32 @!p0 $0x7, s5;
	s6 =	simm.s32 @!p0 $0xB0;
	s0 =	sadd.s32 @!p0 s1, s0  }
0xe9: {  	[tilespmem:s6], [sflag:$0x6] =	stream.linear.gather @!p0 [hbm4b:s0+s5], $0x1, $0x38;
	[tilespmem:$0xF30] =	vst v63  }
0xea: {  	s0 =	simm.s32 @!p0 $0x6  }
0xeb: {  	_ =	swait.ge @!p0 [sflag:s0], $0x1  }
0xec: {  	[sflag:s0] =	ssyncset.done @!p0 $0x0  }
0xed: {  	[sflag:s0] =	ssyncadd.s32 @!p0 $0xFFFFFFFF  }
0xee: {  	v2 =	vmov @!p0 s4;
	v1 =	vld.msk @!p0 [tilespmem:$0xB0], $0x1;
	_ =	sdelay $0x3  }
0xef: {  	s0 =	simm.s32 @!p0 $0xE0  }
0xf0: {  	[tilespmem:v2+s0+$0x0], v1 =	vst.idx.ret.add.f32.msk @!p0 $0x1, v1  }
0xf1: {  	[tilespmem:s2+$0xC0] =	vst.msk $0x1, v0  }
0xf2: {  	v0 =	vld.msk [tilespmem:s4+$0xE0], $0x1;
	_ =	sdelay $0x4  }
0xf3: {  	[tilespmem:s2+$0xE0] =	vst.msk $0x1, v0;
	s2 =	sadd.s32 $0x1, s2  }
.LBB2_19:
0xf4: {  	s4 =	sadd.s32 $0x1, s4  }
0xf5: {  	p0 =	sne.s32 s4, $0x20  }
.Ltmp8:
0xf6: {  	_ = 	snop;
	(pc) =	sbr.rel @!p0 .LBB2_20-.Ltmp8, $1  }
0xf7: {  	_ =	sdelay $0x3  }
.LBB2_12:
0xf8: {  	v0 =	vld.msk [tilespmem:s4+$0xC0], $0x1;
	_ =	sdelay $0x4  }
0xf9: {  	(v2sf) =	vpush v0, $0x0;
	_ =	sdelay $0xe  }
0xfa: {  	s5 =	spop (v2sf)  }
0xfb: {  	p0 =	seq.s32 s5, $0xFFFFFFFF  }
.Ltmp9:
0xfc: {  	_ = 	snop;
	(pc) =	sbr.rel @p0 .LBB2_19-.Ltmp9, $1  }
0xfd: {  	_ =	sdelay $0x3  }
0xfe: {  	p0 =	slt.s32 s2, $0x1  }
.Ltmp10:
0xff: {  	_ = 	snop;
	(pc) =	sbr.rel @p0 .LBB2_17-.Ltmp10, $1  }
0x100: {  	_ =	sdelay $0x3  }
0x101: {  	s0 =	simm.s32 $0xC0;
	p0 =	por $0x0, $0x0  }
0x102: {  	v1 =	vld.msk @!p0 [tilespmem:s0+$0x0], $0x1;
	_ =	sdelay $0x4  }
0x103: {  	(v2sf) =	vpush @!p0 v1, $0x0;
	_ =	sdelay $0xd  }
0x104: {  	p2 =	sne.s32 s2, $0x1  }
.Ltmp11:
0x105: {  	s6 =	spop @!p0 (v2sf);
	(pc) =	sbr.rel @!p2 .LBB2_16-.Ltmp11, $4  }
0x106: {  	p1 =	seq.s32 @!p0 s5, s6  }
0x107: {  	s6 =	simm.s32 $0x0;
	p1 =	por !p1, p0  }
0x108: {  	s8 =	simm.s32 $0xFFFFFFFF;
	s6 =	simm.s32 @p1 $0xFFFFFFFF  }
0x109: {  	s7 =	simm.s32 $0x1;
	s6 =	smov.u32 @p0 s8  }
.LBB2_15:
0x10a: {  	s8 =	smov.u32 s6;
	p0 =	sne.s32 s6, $0xFFFFFFFF  }
0x10b: {  	s0 =	sadd.s32 $0x1, s0;
	s6 =	smov.u32 s7;
	s7 =	sadd.s32 $0x1, s7  }
0x10c: {  	p1 =	sne.s32 s2, s7;
	v1 =	vld.msk @!p0 [tilespmem:s0+$0x0], $0x1;
	_ =	sdelay $0x4  }
0x10d: {  	(v2sf) =	vpush @!p0 v1, $0x0;
	_ =	sdelay $0xe  }
.Ltmp12:
0x10e: {  	s9 =	spop @!p0 (v2sf);
	(pc) =	sbr.rel @p1 .LBB2_15-.Ltmp12, $4  }
0x10f: {  	p2 =	seq.s32 @!p0 s5, s9  }
0x110: {  	p2 =	por !p2, p0  }
0x111: {  	s6 =	simm.s32 @p2 $0xFFFFFFFF  }
0x112: {  	s6 =	smov.u32 @p0 s8  }
.LBB2_16:
0x113: {  	p0 =	sne.s32 s6, $0xFFFFFFFF  }
.Ltmp13:
0x114: {  	_ = 	snop;
	(pc) =	sbr.rel @!p0 .LBB2_17-.Ltmp13, $1  }
0x115: {  	_ =	sdelay $0x3  }
0x116: {  	v0 =	vld.msk [tilespmem:s4+$0xE0], $0x1;
	v1 =	vmov s6  }
.Ltmp14:
0x117: {  	_ = 	snop;
	(pc) =	sbr.rel .LBB2_19-.Ltmp14, $2  }
0x118: {  	_ =	sdelay $0x2  }
0x119: {  	[tilespmem:v1+s3+$0x0], v0 =	vst.idx.ret.add.f32.msk $0x1, v0  }
.LBB2_20:
0x11a: {  	p0 =	slt.s32 s2, $0x1  }
.Ltmp15:
0x11b: {  	_ = 	snop;
	(pc) =	sbr.rel @p0 .LBB2_24-.Ltmp15, $3  }
0x11c: {  	_ =	sdelay $0x1  }
0x11d: {  	s0 =	simm.s32 $0x6  }
0x11e: {  	s3 =	simm.s32 $0x0;
	[sflag:s0] =	ssyncpa.u1 $0x1  }
0x11f: {  	s0 =	simm.s32 $0xC0  }
0x120: {  	v0 =	vld.msk [tilespmem:s0+$0x0], $0x1;
	_ =	sdelay $0x4  }
0x121: {  	(v2sf) =	vpush v0, $0x0;
	_ =	sdelay $0xe  }
0x122: {  	s2 =	sadd.s32 $0xFFFFFFFF, s2;
	s4 =	spop (v2sf)  }
0x123: {  	p1 =	sne.s32 s2, $0x0;
	p0 =	sgt.u32 s4, $0x63FFFFF  }
.Ltmp16:
0x124: {  	s5 =	sshrl.u32 @!p0 s4, $0x3;
	(pc) =	sbr.rel @!p1 .LBB2_23-.Ltmp16, $4  }
0x125: {  	s0 =	simm.s32 $0xE0;
	s4 =	sand.u32 @!p0 $0x7, s4;
	s5 =	sadd.s32 @!p0 s1, s5  }
0x126: {  	[hbm4b:s5+s4] =	stream.linear.scatter @!p0 [tilespmem:s0], [sflag:$0x5], $0x1, $0x38;
	[tilespmem:$0xF30] =	vst v63  }
0x127: {  	s5 =	simm.s32 $0x0  }
0x128: {  	s4 =	simm.s32 $0xC1;
	s5 =	simm.s32 @!p0 $0x4  }
.LBB2_22:
0x129: {  	v0 =	vld.msk [tilespmem:s4+$0x0], $0x1;
	s2 =	sadd.s32 $0xFFFFFFFF, s2;
	s3 =	sadd.s32 s3, s5  }
0x12a: {  	p0 =	sne.s32 s2, $0x0;
	_ =	sdelay $0x3  }
0x12b: {  	(v2sf) =	vpush v0, $0x0;
	_ =	sdelay $0xe  }
.Ltmp17:
0x12c: {  	s6 =	spop (v2sf);
	(pc) =	sbr.rel @p0 .LBB2_22-.Ltmp17, $4  }
0x12d: {  	s5 =	simm.s32 $0x0;
	p1 =	sgt.u32 s6, $0x63FFFFF  }
0x12e: {  	s0 =	sadd.s32 $0x1, s0;
	s5 =	simm.s32 @!p1 $0x4;
	s7 =	sshrl.u32 @!p1 s6, $0x3  }
0x12f: {  	s4 =	sadd.s32 $0x1, s4;
	s6 =	sand.u32 @!p1 $0x7, s6;
	s7 =	sadd.s32 @!p1 s1, s7  }
0x130: {  	[hbm4b:s7+s6] =	stream.linear.scatter @!p1 [tilespmem:s0], [sflag:$0x5], $0x1, $0x38;
	[tilespmem:$0xF30] =	vst v63  }
.LBB2_23:
0x131: {  	s0 =	sadd.s32 s3, s5  }
0x132: {  	s3 =	sshrl.u32 s0, $0x2  }
.LBB2_24:
0x133: {  	s0 =	simm.s32 $0x5  }
0x134: {  	_ =	swait.ge [sflag:s0], s3  }
0x135: {  	s1 =	ssub.s32 $0x0, s3;
	[sflag:s0] =	ssyncset.done $0x0  }
0x136: {  	[sflag:s0] =	ssyncadd.s32 s1  }
0x137: {  	[sflag:s0] =	ssyncpa.u1 $0x1  }
0x138: {  	s29 =	simm.s32 $0x1;
	_ =	sfence  }
0x139: {  	s30 =	simm.s32 $0x2;
	[sflag:s29] =	ssyncpa.u1 $0x1  }
0x13a: {  	[sflag:s30] =	ssyncpa.u1 $0x1  }
0x13b: {  	_ =	strace $0x9000004D  }
0x13c: {  	[bflag:$0x2] =	sbarrier.arrive $0xFFFF  }
0x13d: {  	s31 =	rddreg [dreg:$0x1]  }
0x13e: {  	s0 =	sadd.s32 $0x100000, s31  }
0x13f: {  	[sflag:s0] =	ssyncadd.tile.s32 $0x1;
	_ =	shalt  }
.Lfunc_end2:
_tile_overlayer_lowered:
.L_overlay_start_2:
0x140: {  	(tag) =	ssettag $0x2  }
0x141: {  	s0 =	rddreg [dreg:$0x0];
	s2 =	stileid.u32  }
0x142: {  	s1 =	rddreg [dreg:$0x1];
	p0 =	sne.s32 s2, $0x0  }
0x143: {  	s3 =	rddreg [dreg:$0x2];
	[bflag:$0x3] =	sbarrier.arrive $0xFFFF;
	s2 =	simm.s32 @!p0 $0x1C01  }
0x144: {  	[timem:s3], [sflag:s2] =	dma.local @!p0 [hbm:s0], s1  }
0x145: {  	s0 =	simm.s32 @!p0 $0x1  }
0x146: {  	_ =	swait.ge @!p0 [sflag:s0], s1  }
0x147: {  	s1 =	ssub.s32 @!p0 $0x0, s1;
	[sflag:s0] =	ssyncset.done @!p0 $0x0  }
0x148: {  	[sflag:s0] =	ssyncadd.s32 @!p0 s1  }
0x149: {  	[bflag:$0x3] =	sbarrier.arrive $0xFFFF  }
0x14a: {  	_ =	shalt  }

// kernel: scatter_offload_async_start
scs
__scs_entry_jumppad:
0x0: {  	(pc) =	sbr.rel $0x88, $3  }
0x1: {  	(tag) =	ssettag $0x0;
	lr =	simm.s32 $0x1  }
0x2: {  	[smem:$0x3F97] =	sst lr;
	_ =	strace $0xD0000000  }
0x3: {  	_ = 	snop  }
0x4: {  	_ = 	snop  }
0x5: {  	_ = 	snop  }
0x6: {  	_ = 	snop  }
0x7: {  	_ = 	snop  }
__scs_overlays_trampoline_lowered:
0x8: {  	[smem:$0x3FA6] =	sst s0  }
0x9: {  	[smem:$0x3FA7] =	sst s1  }
0xa: {  	[smem:$0x3FA8] =	sst s2  }
0xb: {  	[smem:$0x3FA9] =	sst s3  }
0xc: {  	[smem:$0x3FAA] =	sst s4  }
0xd: {  	[smem:$0x3FAB] =	sst s5  }
0xe: {  	[smem:$0x3FAC] =	sst s6  }
0xf: {  	[smem:$0x3FAD] =	sst s7  }
0x10: {  	[smem:$0x3FAE] =	sst s8  }
0x11: {  	[smem:$0x3FAF] =	sst s9;
	s0 =	simm.s32 @!p0 $0x0  }
0x12: {  	s1 =	sld [smem:$0x3F95];
	s0 =	simm.s32 @p0 $0x1  }
0x13: {  	[smem:$0x3FB0] =	sst s0;
	s0 =	simm.s32 @!p1 $0x0  }
0x14: {  	s2 =	sld [smem:$0x3F94];
	s0 =	simm.s32 @p1 $0x1  }
0x15: {  	[smem:$0x3FB1] =	sst s0;
	s0 =	simm.s32 @!p2 $0x0  }
0x16: {  	s3 =	sld [smem:$0x3FDB];
	s0 =	simm.s32 @p2 $0x1  }
0x17: {  	s4 =	simm.s32 $0x1BF5;
	[smem:$0x3FB3] =	sst s0  }
0x18: {  	s0 =	sld [smem:$0x3F96];
	_ =	swait.ge [sflag:s4], $0x0  }
0x19: {  	s7 =	sld [smem:$0x3F97]  }
0x1a: {  	s8 =	sadd.s32 $0xFFFFE003, lr  }
0x1b: {  	s9 =	sadd.s32 $0xFFFFFEF7, lr;
	s5 =	simm.s32 $0xFFFFFFFF;
	p2 =	slt.u32 s8, $0xFFFFF086  }
0x1c: {  	p1 =	slt.u32 s9, $0xF7A;
	s5 =	simm.s32 @!p2 $0x0  }
0x1d: {  	s5 =	simm.s32 @p1 $0x1;
	p0 =	seq.s32 s7, s2  }
0x1e: {  	s7 =	smul.u32 @!p0 $0xF7A, s2;
	p2 =	seq.s32 @!p0 s5, $0x0  }
0x1f: {  	s9 =	smul.u32 $0xF7A, s1;
	s8 =	simm.s32 @!p0 $0x1BF5;
	p2 =	por !p2, p0  }
0x20: {  	[sflag:s8] =	ssyncset.s32 @!p0 $0xFFFFF086;
	s6 =	sadd.s32 @!p0 s3, s7;
	s7 =	simm.s32 @!p0 $0x108  }
0x21: {  	s3 =	sadd.s32 s3, s9;
	s6 =	sadd.s32 @!p0 $0x88, s6;
	s7 =	simm.s32 @p2 $0x1082  }
0x22: {  	[simem:s7], [sflag:s8] =	dma.local @!p0 [hbm:s6], $0xF7A  }
0x23: {  	s9 =	sor.u32 $0xD0000000, s2;
	s6 =	simm.s32 $0x108;
	_ =	swait.ge @!p0 [sflag:s8], $0x0  }
0x24: {  	s3 =	sadd.s32 $0x88, s3;
	s6 =	simm.s32 @!p1 $0x1082;
	[sflag:s4] =	ssyncset.s32 $0xFFFFF086  }
0x25: {  	[simem:s6], [sflag:s4] =	dma.local [hbm:s3], $0xF7A  }
0x26: {  	[smem:$0x3F97] =	sst s1;
	(tag) =	ssettag s2;
	_ =	strace s9  }
0x27: {  	s1 =	sld [smem:$0x3FA7]  }
0x28: {  	s2 =	sld [smem:$0x3FA8]  }
0x29: {  	s4 =	sld [smem:$0x3FAA]  }
0x2a: {  	p0 =	seq.s32 s5, $0x0;
	s5 =	sld [smem:$0x3FAB]  }
0x2b: {  	s6 =	sld [smem:$0x3FAC]  }
0x2c: {  	s7 =	sld [smem:$0x3FAD]  }
0x2d: {  	s3 =	simm.s32 $0x108;
	s8 =	sld [smem:$0x3FAE]  }
0x2e: {  	s3 =	simm.s32 @!p0 $0x1082;
	s9 =	sld [smem:$0x3FAF]  }
0x2f: {  	lr =	sadd.s32 s0, s3;
	s0 =	sld [smem:$0x3FA6]  }
0x30: {  	s3 =	sld [smem:$0x3FA9]  }
0x31: {  	[smem:$0x3FB2] =	sst s10  }
0x32: {  	s10 =	sld [smem:$0x3FB0];
	_ =	sdelay $0x3  }
0x33: {  	p0 =	seq.s32 s10, $0x1;
	s10 =	sld [smem:$0x3FB2];
	_ =	sdelay $0x3  }
0x34: {  	[smem:$0x3FB2] =	sst s10  }
0x35: {  	s10 =	sld [smem:$0x3FB1];
	_ =	sdelay $0x3  }
0x36: {  	p1 =	seq.s32 s10, $0x1;
	s10 =	sld [smem:$0x3FB2];
	_ =	sdelay $0x3  }
0x37: {  	[smem:$0x3FB2] =	sst s10  }
0x38: {  	s10 =	sld [smem:$0x3FB3]  }
0x39: {  	_ = 	snop;
	(pc) =	sbr.ind lr, $3  }
0x3a: {  	_ = 	snop  }
0x3b: {  	_ = 	snop  }
0x3c: {  	p2 =	seq.s32 s10, $0x1;
	s10 =	sld [smem:$0x3FB2]  }
0x3d: {  	_ =	shalt  }
0x3e: {  	_ =	shalt  }
0x3f: {  	_ =	shalt  }
0x40: {  	_ =	shalt  }
0x41: {  	_ =	shalt  }
0x42: {  	_ =	shalt  }
0x43: {  	_ =	shalt  }
0x44: {  	_ =	shalt  }
0x45: {  	_ =	shalt  }
0x46: {  	_ =	shalt  }
0x47: {  	_ =	shalt  }
0x48: {  	_ =	shalt  }
0x49: {  	_ =	shalt  }
0x4a: {  	_ =	shalt  }
0x4b: {  	_ =	shalt  }
0x4c: {  	_ =	shalt  }
0x4d: {  	_ =	shalt  }
0x4e: {  	_ =	shalt  }
0x4f: {  	_ =	shalt  }
0x50: {  	_ =	shalt  }
0x51: {  	_ =	shalt  }
0x52: {  	_ =	shalt  }
0x53: {  	_ =	shalt  }
0x54: {  	_ =	shalt  }
0x55: {  	_ =	shalt  }
0x56: {  	_ =	shalt  }
0x57: {  	_ =	shalt  }
0x58: {  	_ =	shalt  }
0x59: {  	_ =	shalt  }
0x5a: {  	_ =	shalt  }
0x5b: {  	_ =	shalt  }
0x5c: {  	_ =	shalt  }
0x5d: {  	_ =	shalt  }
0x5e: {  	_ =	shalt  }
0x5f: {  	_ =	shalt  }
0x60: {  	_ =	shalt  }
0x61: {  	_ =	shalt  }
0x62: {  	_ =	shalt  }
0x63: {  	_ =	shalt  }
0x64: {  	_ =	shalt  }
0x65: {  	_ =	shalt  }
0x66: {  	_ =	shalt  }
0x67: {  	_ =	shalt  }
0x68: {  	_ =	shalt  }
0x69: {  	_ =	shalt  }
0x6a: {  	_ =	shalt  }
0x6b: {  	_ =	shalt  }
0x6c: {  	_ =	shalt  }
0x6d: {  	_ =	shalt  }
0x6e: {  	_ =	shalt  }
0x6f: {  	_ =	shalt  }
0x70: {  	_ =	shalt  }
0x71: {  	_ =	shalt  }
0x72: {  	_ =	shalt  }
0x73: {  	_ =	shalt  }
0x74: {  	_ =	shalt  }
0x75: {  	_ =	shalt  }
0x76: {  	_ =	shalt  }
0x77: {  	_ =	shalt  }
0x78: {  	_ =	shalt  }
0x79: {  	_ =	shalt  }
0x7a: {  	_ =	shalt  }
0x7b: {  	_ =	shalt  }
0x7c: {  	_ =	shalt  }
0x7d: {  	_ =	shalt  }
0x7e: {  	_ =	shalt  }
0x7f: {  	_ =	shalt  }
0x80: {  	_ =	shalt  }
0x81: {  	_ =	shalt  }
0x82: {  	_ =	shalt  }
0x83: {  	_ =	shalt  }
0x84: {  	_ =	shalt  }
0x85: {  	_ =	shalt  }
0x86: {  	_ =	shalt  }
0x87: {  	_ =	shalt  }
.Lfunc_end0:
.L_simem_size_0:
called_computation_lowered:
.L_overlay_start_0:
0x88: {  	s0 =	sld [smem:$0x3FD9]  }
0x89: {  	s1 =	sld [smem:$0x3FFE];
	_ =	sdelay $0x3  }
0x8a: {  	s0 =	sadd.s32 s1, s0  }
0x8b: {  	[smem:$0x3FBE] =	sst s0  }
0x8c: {  	_ = 	snop  }
0x8d: {  	(tm) =	ssettm $0x1  }
0x8e: {  	s15 =	sld [smem:$0x3FFB];
	_ =	sdelay $0x3  }
0x8f: {  	_ =	strace s15  }
0x90: {  	s0 =	sld [smem:$0x3FFC];
	_ =	sdelay $0x3  }
0x91: {  	_ =	strace s0  }
0x92: {  	s0 =	sld [smem:$0x3FFD];
	_ =	sdelay $0x3  }
0x93: {  	_ =	strace s0  }
0x94: {  	_ =	strace $0x8FFFFFFF  }
0x95: {  	s16 =	sld [smem:$0x3FDB];
	_ =	sdelay $0x1  }
0x96: {  	s17 =	simm.s32 $_scs_section_size  }
0x97: {  	s2 =	simm.s32 $_size__tile_overlayer_lowered;
	s3 =	simm.s32 $_tile_overlayer_lowered  }
0x98: {  	s20 =	simm.s32 $0x1BFF;
	s19 =	sshll.u32 s3, $0x1;
	s0 =	sadd.s32 s17, s16  }
0x99: {  	s4 =	simm.s32 $0x0;
	s18 =	sshll.u32 s2, $0x1;
	s2 =	sadd.s32 s19, s0  }
0x9a: {  	[timem:s4], [sflag:s20] =	dma.local [hbm:s2], s18  }
0x9b: {  	_ =	swait.ge [sflag:s20], s18  }
0x9c: {  	s1 =	ssub.s32 $0x0, s18;
	[sflag:s20] =	ssyncset.done $0x0  }
0x9d: {  	[sflag:s20] =	ssyncadd.s32 s1;
	_ =	sdelay $0x1  }
0x9e: {  	s21 =	simm.s32 $0x1B8B  }
0x9f: {  	_ =	swait.ge [sflag:s21], $0x1  }
0xa0: {  	[sflag:s21] =	ssyncset.done $0x0  }
0xa1: {  	s23 =	simm.s32 $0x1B8E;
	s22 =	sld [smem:$0x3FFE];
	[sflag:s21] =	ssyncadd.s32 $0xFFFFFFFF  }
0xa2: {  	s24 =	simm.s32 $execute0_lowered;
	[smem:$0x3FD2] =	sst s23  }
0xa3: {  	s2 =	sshll.u32 s24, $0x1;
	_ =	strace $0x80000046;
	[dreg:$0x1] =	wrdreg $0xFFFFFFFF  }
0xa4: {  	s25 =	simm.s32 $_size_execute0_lowered;
	s0 =	sadd.s32 s0, s2;
	[dreg:$0x0] =	wrdreg $0x0  }
0xa5: {  	s2 =	sshll.u32 s25, $0x1;
	[dreg:$0x2] =	wrdreg s0  }
0xa6: {  	[dreg:$0x3] =	wrdreg s2  }
0xa7: {  	[dreg:$0x4] =	wrdreg $0xC0  }
0xa8: {  	_ =	task [dreg:s4], $0x5FFFF  }
0xa9: {  	[dreg:$0x1] =	wrdreg $0xFFFFFFFF  }
0xaa: {  	[dreg:$0x0] =	wrdreg $0x60  }
0xab: {  	[dreg:$0x2] =	wrdreg s22  }
0xac: {  	[dreg:$0x3] =	wrdreg $0x9  }
0xad: {  	_ =	task.clear_ibuf [dreg:s4], $0x4FFFF;
	_ =	strace $0x90000046  }
0xae: {  	s26 =	simm.s32 $0x9;
	_ =	strace $0x80000048  }
0xaf: {  	_ =	swait.ge [sflag:s26], $0x1  }
0xb0: {  	[sflag:s26] =	ssyncadd.s32 $0xFFFFFFFF  }
0xb1: {  	_ =	strace $0x90000048  }
0xb2: {  	_ =	sfence  }
0xb3: {  	s28 =	sld [smem:$0x0];
	_ =	sdelay $0x1  }
0xb4: {  	s29 =	srdreg.scid  }
0xb5: {  	s30 =	sshll.u32 s29, $0xD;
	s31 =	sshrl.u32 s29, $0x2  }
0xb6: {  	s1 =	sand.u32 $0x1, s29;
	s2 =	sand.u32 $0x4000, s30;
	s0 =	sadd.s32 s31, s28  }
0xb7: {  	s1 =	sor.u32 s2, s1;
	s0 =	sshll.u32 s0, $0x11  }
0xb8: {  	s0 =	sor.u32 s0, s1  }
0xb9: {  	s0 =	sadd.s32 $0x8F2B, s0  }
0xba: {  	[sflag:s0] =	ssyncadd.remote.s32 $0x1  }
0xbb: {  	_ =	sfence.sel $0xFFFF  }
0xbc: {  	[dreg:$0x0] =	wrdreg $0xFFFFFFFF;
	(pc) =	sbr.abs _section_cstart, $3  }
0xbd: {  	[dreg:$0x1] =	wrdreg $0xFFFFFFFF  }
0xbe: {  	_ =	task.clear_ibuf [dreg:s4], $0x2FFFF;
	_ =	strace $0x9FFFFFFF  }
0xbf: {  	(tm) =	ssettm $0x7FFFFFFF  }
tec
execute0_lowered:
.L_overlay_start_1:
0x0: {  	(tag) =	ssettag $0x1  }
0x1: {  	s3 =	rddreg [dreg:$0x0]  }
0x2: {  	s14 =	stileid.u32;
	_ =	strace $0x80000047;
	s0 =	simm.s32 $0x1  }
0x3: {  	v1 =	vimm.s32 $0xFFFFFFFF;
	s1 =	smin.u32 s14, $0x4;
	[sflag:s0] =	ssyncpa.u1 $0x0  }
0x4: {  	s1 =	sadd.s32 s14, s1;
	[tilespmem:$0x10] =	vst v1  }
0x5: {  	v0 =	vimm.f32 $0.0e+00;
	p0 =	slt.u32 s14, $0x4;
	[tilespmem:$0x20] =	vst v1;
	s4 =	smul.u32 $0x1F40, s1;
	s1 =	simm.s32 $0x3E80  }
0x6: {  	[tilespmem:$0x30] =	vst v0;
	s1 =	simm.s32 @!p0 $0x1F40  }
0x7: {  	[tilespmem:$0x40] =	vst v0;
	s1 =	sadd.s32 s1, s4  }
0x8: {  	[tilespmem:$0x50] =	vst v0;
	s5 =	smin.u32 s1, $0x27100  }
0x9: {  	s7 =	simm.s32 $0x2;
	s8 =	simm.s32 $0x8;
	[tilespmem:$0x60] =	vst v1;
	s2 =	ssub.s32 s5, s4  }
0xa: {  	s31 =	simm.s32 $0x9;
	s16 =	simm.s32 $0x0;
	[tilespmem:$0x70] =	vst v1;
	p0 =	sgt.s32 s2, $0x0  }
0xb: {  	s17 =	simm.s32 $0xF0;
	s18 =	simm.s32 $0xFFFFFFFF;
	[tilespmem:$0x80] =	vst v1;
	s2 =	simm.s32 @!p0 $0x0  }
0xc: {  	s19 =	simm.s32 $0xFFFFC280;
	s20 =	simm.s32 $0xFFFFFFFE;
	v1 =	vimm.s32 $0x0;
	[tilespmem:$0xB0] =	vst v0;
	s30 =	smulhi.u32 $0x10624DD3, s2  }
0xd: {  	s21 =	simm.s32 $0xF;
	s25 =	simm.s32 $0x0;
	s24 =	simm.s32 $0x0;
	[tilespmem:$0x90] =	vst v1  }
0xe: {  	[tilespmem:$0xA0] =	vst v1;
	[sflag:s7] =	ssyncpa.u1 $0x0;
	s7 =	simm.s32 $0x7;
	s9 =	sshrl.u32 s30, $0x9  }
0xf: {  	s6 =	sadd.s32 $0x5000, s3;
	[sflag:s7] =	ssyncpa.u1 $0x0;
	s10 =	smul.u32 $0x1F40, s9  }
.Ltmp0:
0x10: {  	[sflag:s8] =	ssyncpa.u1 $0x0;
	s23 =	smov.u32 s4;
	(pc) =	sbr.rel .LBB2_1-.Ltmp0, $4  }
0x11: {  	s1 =	sadd.s32 $0x14600, s3;
	[sflag:s31] =	ssyncpa.u1 $0x0;
	p0 =	sne.s32 s2, s10  }
0x12: {  	s10 =	sshll.u32 s14, $0x1;
	s14 =	sshllo.u32 s14, $0x1;
	s0 =	simm.s32 @!p0 $0x0  }
0x13: {  	vm0 =	vmmov $0xffff;
	v2 =	vlaneseq.u32;
	s13 =	sor.u32 $0x81, s10;
	s15 =	sor.u32 $0x80, s10;
	s9 =	sadd.s32 s0, s9  }
0x14: {  	vm1 =	vmxor vm1, vm1;
	vm2 =	vmmov $0x1;
	vm3 =	vcmask $0x3F3C;
	p0 =	por $0x0, $0x0;
	s11 =	sadd.s32 $0x1, s9;
	s12 =	sadd.s32 $0x2, s9  }
.LBB2_9:
0x15: {  	p1 =	slt.u32 s24, $0x3  }
0x16: {  	s0 =	simm.s32 @!p1 $0x2  }
0x17: {  	_ =	swait.ge @!p1 [sflag:s0], $0x1F40  }
0x18: {  	[sflag:s0] =	ssyncset.done @!p1 $0x0  }
0x19: {  	[sflag:s0] =	ssyncadd.s32 @!p1 $0xFFFFE0C0;
	s0 =	simm.s32 @!p1 $0x9  }
0x1a: {  	_ =	swait.ge @!p1 [sflag:s0], $0x10  }
0x1b: {  	[sflag:s0] =	ssyncset.done @!p1 $0x0  }
0x1c: {  	[sflag:s0] =	ssyncadd.s32 @!p1 $0xFFFFFFF0;
	p1 =	sne.s32 s24, s12  }
.Ltmp1:
0x1d: {  	s2 =	sadd.s32 $0x1F40, s23;
	(pc) =	sbr.rel @!p1 .LBB2_10-.Ltmp1, $4  }
0x1e: {  	s22 =	smov.u32 s4;
	s31 =	sadd.s32 $0x1, s24;
	s17 =	sadd.s32 $0x1F40, s17  }
0x1f: {  	s18 =	sadd.s32 $0x1, s18;
	s25 =	smov.u32 s23;
	p2 =	slt.s32 s2, s5  }
0x20: {  	p0 =	por !p0, !p0;
	s19 =	sadd.s32 $0x1F40, s19;
	s22 =	smov.u32 @p2 s2  }
0x21: {  	s20 =	sadd.s32 $0x1, s20;
	s23 =	smov.u32 s22;
	s24 =	smov.u32 s31  }
.LBB2_1:
0x22: {  	p1 =	sge.u32 s24, s9  }
0x23: {  	s0 =	smulhi.u32 @!p1 $0xAAAAAAAB, s24;
	_ =	sdelay $0x1  }
0x24: {  	s0 =	sshrl.u32 @!p1 s0, $0x1  }
0x25: {  	s0 =	smul.u32 @!p1 $0x3, s0;
	_ =	sdelay $0x1  }
0x26: {  	s0 =	ssub.s32 @!p1 s24, s0  }
0x27: {  	s0 =	smul.u32 @!p1 $0x7D00, s0;
	_ =	sdelay $0x1  }
0x28: {  	s2 =	sshrl.u32 @!p1 s23, $0x3;
	s0 =	sshrl.u32 @!p1 s0, $0x2  }
0x29: {  	s22 =	sand.u32 @!p1 $0x7, s23;
	s2 =	sadd.s32 @!p1 s3, s2;
	s0 =	sadd.s32 @!p1 $0x100, s0  }
0x2a: {  	[tilespmem:s0], [sflag:$0x7] =	stream.linear.gather @!p1 [hbm4b:s2+s22], $0x1F40, $0x38;
	[tilespmem:$0x11A60] =	vst v63  }
0x2b: {  	s0 =	sadd.s32 $0xFFFFFFFF, s24  }
0x2c: {  	p1 =	sge.u32 s0, s9  }
.Ltmp2:
0x2d: {  	_ = 	snop;
	(pc) =	sbr.rel @p1 .LBB2_5-.Ltmp2, $1  }
0x2e: {  	_ =	sdelay $0x3  }
0x2f: {  	s2 =	smulhi.u32 $0xAAAAAAAB, s0;
	_ =	sdelay $0x1  }
0x30: {  	s2 =	sshrl.u32 s2, $0x1  }
0x31: {  	s2 =	smul.u32 $0x3, s2;
	_ =	sdelay $0x1  }
0x32: {  	s2 =	ssub.s32 s0, s2  }
0x33: {  	s2 =	smul.u32 $0x7D00, s2  }
0x34: {  	_ =	swait.ge [sflag:s7], $0x1F40  }
0x35: {  	[sflag:s7] =	ssyncset.done $0x0;
	s2 =	sshrl.u32 s2, $0x2  }
0x36: {  	[sflag:s7] =	ssyncadd.s32 $0xFFFFE0C0;
	(ifvalue) =	ssetifvalue $0xFFFFFFFF;
	v3 =	vld.msk [tilespmem:s2+$0x100 ss:$0x1], $0xffff;
	_ =	sdelay $0x2  }
0x37: {  	s30 =	smulhi.u32 $0xAAAAAAAB, s18;
	p1 =	sne.s32 s24, $0x1  }
0x38: {  	v4 =	vimm.s32 @!p1 $0x0  }
0x39: {  	s2 =	sshrl.u32 s30, $0x1;
	v4 =	vperm.xlane @!p1 v3, v4  }
0x3a: {  	s22 =	sshll.u32 s24, $0x4;
	s2 =	smul.u32 $0xFFFE8900, s2;
	vm4 =	vlt.u32 v3, $0x2800  }
0x3b: {  	s22 =	sand.u32 $0x10, s22;
	v3 =	vnsel vm4, $0xFFFFFFFE, v3;
	vm4 =	vlt.u32 @!p1 v4, $0x2800  }
0x3c: {  	s2 =	sshra.s32 s2, $0x2;
	[tilespmem:s22+$0x60] =	vst v3;
	v3 =	vnsel @!p1 vm4, $0xFFFFFFFE, v4  }
0x3d: {  	s28 =	sadd.s32 s2, s17;
	[tilespmem:$0x80] =	vst @!p1 v3  }
0x3e: {  	v3 =	vld.msk [tilespmem:s28+$0x0 ss:$0x1], $0xffff;
	_ =	sdelay $0x4  }
0x3f: {  	(xrf1) =	vunique.msk.u32 $0xffff, v3;
	_ =	sdelay $0xd  }
0x40: {  	v4 =	vimm.s32 $0xFFFFFFFF;
	v5, _, _ =	vpop (xrf1)  }
0x41: {  	vm5 =	vne.s32 v3, v4;
	vm4 =	veq.s32 v5, v2  }
0x42: {  	vm6 =	vlt.u32 v3, $0x2800;
	vm4 =	vmand vm5, vm4  }
0x43: {  	vm4 =	vmand vm6, vm4  }
0x44: {  	v4 =	vnsel vm4, $0xFFFFFFFF, v3  }
0x45: {  	s31 =	sand.u32 $0x1, s0  }
0x46: {  	s0 =	simm.s32 $0x1F40;
	p1 =	seq.s32 s31, $0x1  }
0x47: {  	s0 =	simm.s32 @!p1 $0x0  }
0x48: {  	s26 =	sadd.s32 $0x7DF0, s0;
	(ifvalue) =	ssetifvalue $0xFFFFFFFF  }
0x49: {  	v3 =	vperm.xlane v3, v1;
	[tilespmem:s26], [sflag:$0x8] =	stream.indirect_vreg.gather [hbm4b:s1+s16], $0x1, v4, vm0, $0x4038;
	v4 =	vnsel vm6, $0xFFFFFFFE, v4;
	[tilespmem:$0x11A60] =	vst v63  }
0x4a: {  	s2 =	simm.s32 $0x0;
	s22 =	sadd.s32 $0xFFFFFFF0, s28;
	[tilespmem:s28+$0x0] =	vst v4  }
.LBB2_3:
0x4b: {  	v4 =	vld.msk [tilespmem:s22+$0x0 ss:$0x1], $0xffff;
	s2 =	sadd.s32 $0x10, s2;
	v5 =	vmov v3;
	s28 =	smov.u32 s22  }
0x4c: {  	p1 =	slt.u32 s2, $0x1F30;
	_ =	sdelay $0x4  }
0x4d: {  	v3 =	vperm.xlane v4, v1;
	(xrf1) =	vunique.msk.u32 $0xffff, v4;
	_ =	sdelay $0xd  }
0x4e: {  	v6, _, _ =	vpop (xrf1)  }
0x4f: {  	vm5 =	vne.s32 v4, v5;
	vm4 =	veq.s32 v6, v2  }
0x50: {  	vm6 =	vlt.u32 v4, $0x2800;
	vm4 =	vmand vm5, vm4  }
0x51: {  	vm4 =	vmand vm6, vm4  }
0x52: {  	v4 =	vnsel vm4, $0xFFFFFFFF, v4  }
.Ltmp3:
0x53: {  	v5 =	vnsel vm6, $0xFFFFFFFE, v4;
	(pc) =	sbr.rel @p1 .LBB2_3-.Ltmp3, $3  }
0x54: {  	_ =	sdelay $0x1  }
0x55: {  	s22 =	sadd.s32 $0xFFFFFFF0, s22;
	s26 =	sadd.s32 $0xFFFFFFF0, s26;
	(ifvalue) =	ssetifvalue $0xFFFFFFFF  }
0x56: {  	[tilespmem:s26], [sflag:$0x8] =	stream.indirect_vreg.gather [hbm4b:s1+s16], $0x1, v4, vm0, $0x4038;
	[tilespmem:s28+$0x0] =	vst v5  }
0x57: {  	s2 =	sshrl.u32 s25, $0x3  }
0x58: {  	s0 =	sadd.s32 $0x9D40, s0;
	s2 =	sadd.s32 s6, s2  }
0x59: {  	[tilespmem:s0], [sflag:$0x8] =	stream.linear.gather [hbm:s2], $0x1F40, $0x38;
	[tilespmem:$0x11A60] =	vst v63  }
.LBB2_5:
0x5a: {  	p1 =	slt.u32 s24, $0x2  }
0x5b: {  	p2 =	sge.u32 @!p1 s24, s12  }
0x5c: {  	p1 =	por p1, p2  }
.Ltmp4:
0x5d: {  	_ = 	snop;
	(pc) =	sbr.rel @p1 .LBB2_9-.Ltmp4, $1  }
0x5e: {  	_ =	sdelay $0x3  }
0x5f: {  	s0 =	sadd.s32 $0xFFFFFFFE, s24  }
0x60: {  	s2 =	smulhi.u32 $0xAAAAAAAB, s0;
	_ =	sdelay $0x1  }
0x61: {  	s2 =	sshrl.u32 s2, $0x1  }
0x62: {  	s2 =	smul.u32 $0x3, s2;
	_ =	sdelay $0x1  }
0x63: {  	s0 =	ssub.s32 s0, s2  }
0x64: {  	_ =	swait.ge [sflag:s8], $0x3E80;
	s0 =	smul.u32 $0x1F40, s0  }
0x65: {  	p1 =	sne.s32 s24, s11;
	[sflag:s8] =	ssyncset.done $0x0  }
0x66: {  	[sflag:s8] =	ssyncadd.s32 $0xFFFFC180;
	s2 =	sadd.s32 @!p1 $0x203F, s0  }
0x67: {  	[spmem:s13] =	stream.linear.scatter @!p1 [tilespmem:s2], [sflag:$0x1], $0x1, $0x38;
	[tilespmem:$0x11A60] =	vst v63  }
0x68: {  	s2 =	simm.s32 @!p1 $0x1  }
0x69: {  	_ =	swait.ge @!p1 [sflag:s2], $0x1  }
0x6a: {  	s22 =	sshll.u32 s24, $0x4;
	[sflag:s2] =	ssyncset.done @!p1 $0x0  }
0x6b: {  	s25 =	sand.u32 $0x10, s22;
	[sflag:s2] =	ssyncadd.s32 @!p1 $0xFFFFFFFF  }
0x6c: {  	s2 =	sxor.u32 $0x10, s25;
	v4 =	vld [tilespmem:s25+$0x10]  }
0x6d: {  	v5 =	vld [tilespmem:s2+$0x60]  }
0x6e: {  	v3 =	vld [tilespmem:$0x80];
	_ =	sdelay $0x2  }
0x6f: {  	(v2sf) =	vpush v4, $0x0  }
0x70: {  	(v2sf) =	vpush v5, $0x0  }
0x71: {  	(v2sf) =	vpush v3, $0x0;
	_ =	sdelay $0xc  }
0x72: {  	s22 =	spop (v2sf)  }
0x73: {  	s26 =	spop (v2sf)  }
0x74: {  	s28 =	spop (v2sf)  }
0x75: {  	p2 =	seq.s32 s22, s26;
	p3 =	seq.s32 s28, s22  }
0x76: {  	p3 =	por p2, p3  }
0x77: {  	s26 =	sand.u32 $0x1, s24;
	v4 =	vpsel p3, $0xFFFFFFFF, v4  }
0x78: {  	s29 =	smul.u32 $0x1F40, s26;
	[tilespmem:s25+$0x10] =	vst.msk $0x1, v4  }
0x79: {  	v4 =	vld [tilespmem:$0x30]  }
0x7a: {  	v5 =	vld [tilespmem:s29+$0x9D40]  }
0x7b: {  	v6 =	vld [tilespmem:s25+$0x40];
	_ =	sdelay $0x3  }
0x7c: {  	vm4 =	vmmov vm1;
	v5 =	vadd.f32 v5, v4  }
0x7d: {  	vm5 =	vmmov vm2;
	vm4 =	vmmov @p2 vm2;
	s22 =	sshll.u32 s26, $0x4;
	v4 =	vadd.f32 v6, v4  }
0x7e: {  	s26 =	sor.u32 $0x11A40, s22;
	vm5 =	vmmov @p3 vm1;
	[tilespmem:s29+$0x9D40] =	vst.msk vm4, v5  }
0x7f: {  	[tilespmem:s26+$0x0] =	vst.msk vm5, v4  }
0x80: {  	v4 =	vld [tilespmem:s29+$0x7DF0];
	_ =	sdelay $0x3  }
0x81: {  	v5 =	vimm.f32 $0.0e+00  }
0x82: {  	v4 =	vshift.insert v4, v5, s21  }
0x83: {  	s22 =	sor.u32 $0x40, s2  }
0x84: {  	[tilespmem:s22+$0x0] =	vst.msk $0x1, v4  }
0x85: {  	[tilespmem:s29+$0x7DFF] =	vst.msk $0x1, v5  }
0x86: {  	v4 =	vld [tilespmem:s0+$0x2030];
	_ =	sdelay $0x1  }
0x87: {  	s22 =	smulhi.u32 $0xAAAAAAAB, s20;
	s0 =	simm.s32 $0x1  }
0x88: {  	s0 =	simm.s32 @!p0 $0x0  }
0x89: {  	s22 =	sshrl.u32 s22, $0x1;
	s0 =	smul.u32 $0x7D00, s0  }
0x8a: {  	s22 =	smul.u32 $0xFFFE8900, s22;
	v4 =	vshift.insert v4, v1, s21  }
0x8b: {  	s0 =	sshrl.u32 s0, $0x2  }
0x8c: {  	s22 =	sshra.s32 s22, $0x2;
	s30 =	sadd.s32 $0x9D40, s0;
	[tilespmem:s2+$0x10] =	vst.msk $0x1, v4  }
0x8d: {  	s22 =	sadd.s32 s22, s19;
	v6 =	vld [tilespmem:s30+$0x0]  }
0x8e: {  	v7 =	vld [tilespmem:s22+$0x0];
	_ =	sdelay $0x3  }
0x8f: {  	v5 =	vadd.f32 v6, v5  }
0x90: {  	vm4 =	vne.s32 v7, $0xFFFFFFFF  }
0x91: {  	(xrf2) =	vadd.seg.scan.f32 vm4, v5;
	_ =	sdelay $0x3  }
0x92: {  	s31 =	sadd.s32 $0x5EC0, s0;
	v5 =	vperm.xlane v4, v1  }
0x93: {  	v6 =	vld [tilespmem:s31+$0x0]  }
0x94: {  	vm5 =	veq.s32 v7, v3;
	vm6 =	veq.s32 v7, v5  }
0x95: {  	vm7 =	vgt.u32 v7, $0xFFFFFFFD;
	vm6 =	vmor vm6, vm5  }
0x96: {  	vm6 =	vmor vm6, vm7  }
0x97: {  	v9 =	vld [tilespmem:$0xA0];
	v7 =	vsel vm6, $0xFFFFFFFF, v7  }
0x98: {  	v10 =	vld [tilespmem:$0x90];
	v6 =	vsel vm5, $0x0, v6;
	v8, _, _ =	vpop (xrf2)  }
0x99: {  	v6 =	vadd.f32 v8, v6  }
0x9a: {  	s0 =	sadd.s32 $0xDBC0, s0  }
0x9b: {  	vm4 =	vmand vm4, vm3;
	[tilespmem:s0+$0x0] =	vst v6;
	(ifvalue) =	ssetifvalue $0xFFFFFFFF  }
0x9c: {  	vm6 =	veq.s32 v9, $0x1;
	[hbm4b:s1+s16] =	stream.indirect_vreg.scatter [tilespmem:s0], [sflag:$0x2], $0x1, v7, vm0, $0x4038;
	v7 =	vsel vm4, $0x0, v8;
	[tilespmem:$0x11A60] =	vst v63  }
0x9d: {  	s2 =	simm.s32 $0x0;
	s22 =	sadd.s32 $0x10, s22;
	vm4 =	vmor vm6, vm5;
	v6 =	vsel vm5, v8, v10;
	v7 =	vshift.insert v7, v0, s21  }
.LBB2_7:
0x9e: {  	v8 =	vld [tilespmem:s22+$0x0];
	s30 =	sadd.s32 $0x10, s30  }
0x9f: {  	s31 =	sadd.s32 $0x10, s31;
	v9 =	vld [tilespmem:s30+$0x0]  }
0xa0: {  	s2 =	sadd.s32 $0x10, s2;
	v10 =	vld [tilespmem:s31+$0x0]  }
0xa1: {  	p2 =	slt.u32 s2, $0x1F30;
	_ =	sdelay $0x2  }
0xa2: {  	v7 =	vadd.f32 v9, v7  }
0xa3: {  	vm5 =	vne.s32 v8, $0xFFFFFFFF  }
0xa4: {  	vm6 =	vmand vm5, vm3;
	(xrf2) =	vadd.seg.scan.f32 vm5, v7;
	_ =	sdelay $0x5  }
0xa5: {  	vm7 =	veq.s32 v8, v5;
	vm5 =	veq.s32 v8, v3  }
0xa6: {  	vm8 =	vgt.u32 v8, $0xFFFFFFFD;
	vm4 =	vmor vm4, vm5;
	vm7 =	vmor vm7, vm5  }
0xa7: {  	vm7 =	vmor vm7, vm8  }
0xa8: {  	v8 =	vsel vm7, $0xFFFFFFFF, v8  }
.Ltmp5:
0xa9: {  	v7 =	vsel vm5, $0x0, v10;
	v9, _, _ =	vpop (xrf2);
	(pc) =	sbr.rel @p2 .LBB2_7-.Ltmp5, $4  }
0xaa: {  	v6 =	vsel vm5, v9, v6;
	v10 =	vadd.f32 v9, v7;
	v7 =	vsel vm6, $0x0, v9  }
0xab: {  	s0 =	sadd.s32 $0x10, s0;
	v7 =	vshift.insert v7, v0, s21  }
0xac: {  	s22 =	sadd.s32 $0x10, s22;
	[tilespmem:s0+$0x0] =	vst v10;
	(ifvalue) =	ssetifvalue $0xFFFFFFFF  }
0xad: {  	[hbm4b:s1+s16] =	stream.indirect_vreg.scatter [tilespmem:s0], [sflag:$0x2], $0x1, v8, vm0, $0x4038;
	[tilespmem:$0x11A60] =	vst v63  }
0xae: {  	v3 =	vld [tilespmem:s29+$0xFAF0];
	_ =	sdelay $0x4  }
0xaf: {  	v3 =	vshift.insert v3, v0, s21  }
0xb0: {  	s0 =	simm.s32 $0x30  }
0xb1: {  	[tilespmem:s0+$0x0] =	vst.msk $0x1, v3  }
0xb2: {  	v3 =	vsel vm4, $0x1, v1;
	[tilespmem:$0x90] =	vst v6  }
0xb3: {  	s0 =	sadd.s32 @!p1 $0xFAFF, s29;
	[tilespmem:$0xA0] =	vst v3  }
0xb4: {  	[spmem:s14] =	stream.linear.scatter @!p1 [tilespmem:s0], [sflag:$0x1], $0x1, $0x38;
	[tilespmem:$0x11A60] =	vst v63  }
0xb5: {  	s0 =	simm.s32 @!p1 $0x1  }
0xb6: {  	v3 =	vmctz.xlane @!p1 vm4;
	_ =	swait.ge @!p1 [sflag:s0], $0x1  }
0xb7: {  	(v2sf) =	vpush @!p1 v4, $0x0  }
0xb8: {  	(v2sf) =	vpush @!p1 v3, $0x0;
	_ =	sdelay $0xd  }
0xb9: {  	s2 =	spop @!p1 (v2sf)  }
0xba: {  	s22 =	spop @!p1 (v2sf)  }
0xbb: {  	p2 =	sne.s32 @!p1 s28, s2;
	p3 =	slt.s32 @!p1 s22, $0xF  }
0xbc: {  	[sflag:s0] =	ssyncset.done @!p1 $0x0;
	p2 =	por p2, p1;
	p3 =	por !p3, p1  }
0xbd: {  	[sflag:s0] =	ssyncadd.s32 @!p1 $0xFFFFFFFF;
	v3 =	vimm.s32 @!p2 $0xFFFFFFFF;
	s22 =	simm.s32 @p3 $0xF  }
0xbe: {  	[tilespmem:$0x80] =	vst @!p2 v3;
	s2 =	sadd.s32 @!p1 $0x90, s22  }
0xbf: {  	[spmem:s10] =	stream.linear.scatter @!p1 [tilespmem:s2], [sflag:$0x1], $0x1, $0x38;
	[tilespmem:$0x11A60] =	vst v63  }
0xc0: {  	_ =	swait.ge @!p1 [sflag:s0], $0x1  }
0xc1: {  	[sflag:s0] =	ssyncset.done @!p1 $0x0  }
0xc2: {  	s2 =	simm.s32 @!p1 $0x80;
	[sflag:s0] =	ssyncadd.s32 @!p1 $0xFFFFFFFF  }
0xc3: {  	[spmem:s15] =	stream.linear.scatter @!p1 [tilespmem:s2], [sflag:$0x1], $0x1, $0x38;
	[tilespmem:$0x11A60] =	vst v63  }
0xc4: {  	_ =	swait.ge @!p1 [sflag:s0], $0x1  }
0xc5: {  	[sflag:s0] =	ssyncset.done @!p1 $0x0  }
0xc6: {  	[sflag:s0] =	ssyncadd.s32 @!p1 $0xFFFFFFFF;
	(ifvalue) =	ssetifvalue $0xFFFFFFFF;
	v3 =	vld [tilespmem:s25+$0x10];
	_ =	sdelay $0x3  }
.Ltmp6:
0xc7: {  	_ = 	snop;
	(pc) =	sbr.rel .LBB2_9-.Ltmp6, $3  }
0xc8: {  	_ =	sdelay $0x1  }
0xc9: {  	(ifvalue) =	ssetifvalue $0xFFFFFFFF  }
0xca: {  	[hbm4b:s1+s16] =	stream.indirect_vreg.scatter [tilespmem:s26], [sflag:$0x9], $0x1, v3, vm0, $0x4038;
	[tilespmem:$0x11A60] =	vst v63  }
.LBB2_10:
0xcb: {  	_ =	sfence.sel $0x180000  }
0xcc: {  	s0 =	simm.s32 $0x7;
	[bflag:$0x0] =	sbarrier.arrive $0xFFFF  }
0xcd: {  	s26 =	simm.s32 $0x8;
	[sflag:s0] =	ssyncpa.u1 $0x1  }
0xce: {  	s28 =	simm.s32 $0x9;
	[sflag:s26] =	ssyncpa.u1 $0x1  }
0xcf: {  	[sflag:s28] =	ssyncpa.u1 $0x1  }
0xd0: {  	_ =	sfence.stream.spmem  }
0xd1: {  	s29 =	simm.s32 $0x3;
	[bflag:$0x0] =	sbarrier.arrive $0xFFFF  }
0xd2: {  	s30 =	simm.s32 $0x4;
	[sflag:s29] =	ssyncpa.u1 $0x1  }
0xd3: {  	s31 =	simm.s32 $0x3C;
	s2 =	stileid.u32;
	[sflag:s30] =	ssyncpa.u1 $0x1  }
0xd4: {  	p0 =	sne.s32 s2, $0x0;
	[sflag:s31] =	ssyncpa.u1 $0x1  }
0xd5: {  	s0 =	simm.s32 @p0 $0x1;
	_ =	sfence @p0  }
0xd6: {  	[sflag:s0] =	ssyncpa.u1 @p0 $0x1;
	s0 =	simm.s32 @p0 $0x2  }
0xd7: {  	[sflag:s0] =	ssyncpa.u1 @p0 $0x1  }
0xd8: {  	_ =	strace @p0 $0x90000047  }
0xd9: {  	[bflag:$0x2] =	sbarrier.arrive @p0 $0xFFFF  }
0xda: {  	_ =	shalt @p0  }
.LBB2_11:
0xdb: {  	_ =	sfence.stream.spmem;
	s0 =	simm.s32 $0x5  }
0xdc: {  	s2 =	simm.s32 $0x80;
	s3 =	simm.s32 $0xC0;
	[sflag:s0] =	ssyncpa.u1 $0x0  }
0xdd: {  	[tilespmem:s3], [sflag:$0x5] =	stream.linear.gather [spmem:s2], $0x20, $0x38;
	[tilespmem:$0x11A60] =	vst v63  }
0xde: {  	s2 =	simm.s32 $0x0;
	s3 =	simm.s32 $0xE0  }
0xdf: {  	[tilespmem:s3], [sflag:$0x5] =	stream.linear.gather [spmem:s2], $0x20, $0x38;
	[tilespmem:$0x11A60] =	vst v63  }
.Ltmp7:
0xe0: {  	_ = 	snop;
	(pc) =	sbr.rel .LBB2_12-.Ltmp7, $4  }
0xe1: {  	_ =	swait.ge [sflag:s0], $0x40  }
0xe2: {  	[sflag:s0] =	ssyncset.done $0x0  }
0xe3: {  	s31 =	simm.s32 $0x6;
	[sflag:s0] =	ssyncadd.s32 $0xFFFFFFC0  }
0xe4: {  	s4 =	simm.s32 $0x0;
	[sflag:s31] =	ssyncpa.u1 $0x0  }
.LBB2_17:
0xe5: {  	p0 =	sgt.u32 s5, $0x27FF  }
0xe6: {  	s0 =	sshrl.u32 @!p0 s5, $0x3  }
0xe7: {  	s5 =	sand.u32 @!p0 $0x7, s5;
	s6 =	simm.s32 @!p0 $0xB0;
	s0 =	sadd.s32 @!p0 s1, s0  }
0xe8: {  	[tilespmem:s6], [sflag:$0x6] =	stream.linear.gather @!p0 [hbm4b:s0+s5], $0x1, $0x38;
	[tilespmem:$0x11A60] =	vst v63  }
0xe9: {  	s0 =	simm.s32 @!p0 $0x6  }
0xea: {  	_ =	swait.ge @!p0 [sflag:s0], $0x1  }
0xeb: {  	[sflag:s0] =	ssyncset.done @!p0 $0x0  }
0xec: {  	[sflag:s0] =	ssyncadd.s32 @!p0 $0xFFFFFFFF  }
0xed: {  	v2 =	vmov @!p0 s4;
	v1 =	vld.msk @!p0 [tilespmem:$0xB0], $0x1;
	_ =	sdelay $0x3  }
0xee: {  	s0 =	simm.s32 @!p0 $0xE0  }
0xef: {  	[tilespmem:v2+s0+$0x0], v1 =	vst.idx.ret.add.f32.msk @!p0 $0x1, v1  }
0xf0: {  	[tilespmem:s2+$0xC0] =	vst.msk $0x1, v0  }
0xf1: {  	v0 =	vld.msk [tilespmem:s4+$0xE0], $0x1;
	_ =	sdelay $0x4  }
0xf2: {  	[tilespmem:s2+$0xE0] =	vst.msk $0x1, v0;
	s2 =	sadd.s32 $0x1, s2  }
.LBB2_19:
0xf3: {  	s4 =	sadd.s32 $0x1, s4  }
0xf4: {  	p0 =	sne.s32 s4, $0x20  }
.Ltmp8:
0xf5: {  	_ = 	snop;
	(pc) =	sbr.rel @!p0 .LBB2_20-.Ltmp8, $1  }
0xf6: {  	_ =	sdelay $0x3  }
.LBB2_12:
0xf7: {  	v0 =	vld.msk [tilespmem:s4+$0xC0], $0x1;
	_ =	sdelay $0x4  }
0xf8: {  	(v2sf) =	vpush v0, $0x0;
	_ =	sdelay $0xe  }
0xf9: {  	s5 =	spop (v2sf)  }
0xfa: {  	p0 =	seq.s32 s5, $0xFFFFFFFF  }
.Ltmp9:
0xfb: {  	_ = 	snop;
	(pc) =	sbr.rel @p0 .LBB2_19-.Ltmp9, $1  }
0xfc: {  	_ =	sdelay $0x3  }
0xfd: {  	p0 =	slt.s32 s2, $0x1  }
.Ltmp10:
0xfe: {  	_ = 	snop;
	(pc) =	sbr.rel @p0 .LBB2_17-.Ltmp10, $1  }
0xff: {  	_ =	sdelay $0x3  }
0x100: {  	s0 =	simm.s32 $0xC0;
	p0 =	por $0x0, $0x0  }
0x101: {  	v1 =	vld.msk @!p0 [tilespmem:s0+$0x0], $0x1;
	_ =	sdelay $0x4  }
0x102: {  	(v2sf) =	vpush @!p0 v1, $0x0;
	_ =	sdelay $0xd  }
0x103: {  	p2 =	sne.s32 s2, $0x1  }
.Ltmp11:
0x104: {  	s6 =	spop @!p0 (v2sf);
	(pc) =	sbr.rel @!p2 .LBB2_16-.Ltmp11, $4  }
0x105: {  	p1 =	seq.s32 @!p0 s5, s6  }
0x106: {  	s6 =	simm.s32 $0x0;
	p1 =	por !p1, p0  }
0x107: {  	s8 =	simm.s32 $0xFFFFFFFF;
	s6 =	simm.s32 @p1 $0xFFFFFFFF  }
0x108: {  	s7 =	simm.s32 $0x1;
	s6 =	smov.u32 @p0 s8  }
.LBB2_15:
0x109: {  	s8 =	smov.u32 s6;
	p0 =	sne.s32 s6, $0xFFFFFFFF  }
0x10a: {  	s0 =	sadd.s32 $0x1, s0;
	s6 =	smov.u32 s7;
	s7 =	sadd.s32 $0x1, s7  }
0x10b: {  	p1 =	sne.s32 s2, s7;
	v1 =	vld.msk @!p0 [tilespmem:s0+$0x0], $0x1;
	_ =	sdelay $0x4  }
0x10c: {  	(v2sf) =	vpush @!p0 v1, $0x0;
	_ =	sdelay $0xe  }
.Ltmp12:
0x10d: {  	s9 =	spop @!p0 (v2sf);
	(pc) =	sbr.rel @p1 .LBB2_15-.Ltmp12, $4  }
0x10e: {  	p2 =	seq.s32 @!p0 s5, s9  }
0x10f: {  	p2 =	por !p2, p0  }
0x110: {  	s6 =	simm.s32 @p2 $0xFFFFFFFF  }
0x111: {  	s6 =	smov.u32 @p0 s8  }
.LBB2_16:
0x112: {  	p0 =	sne.s32 s6, $0xFFFFFFFF  }
.Ltmp13:
0x113: {  	_ = 	snop;
	(pc) =	sbr.rel @!p0 .LBB2_17-.Ltmp13, $1  }
0x114: {  	_ =	sdelay $0x3  }
0x115: {  	v0 =	vld.msk [tilespmem:s4+$0xE0], $0x1;
	v1 =	vmov s6  }
.Ltmp14:
0x116: {  	_ = 	snop;
	(pc) =	sbr.rel .LBB2_19-.Ltmp14, $2  }
0x117: {  	_ =	sdelay $0x2  }
0x118: {  	[tilespmem:v1+s3+$0x0], v0 =	vst.idx.ret.add.f32.msk $0x1, v0  }
.LBB2_20:
0x119: {  	p0 =	slt.s32 s2, $0x1  }
.Ltmp15:
0x11a: {  	_ = 	snop;
	(pc) =	sbr.rel @p0 .LBB2_24-.Ltmp15, $3  }
0x11b: {  	_ =	sdelay $0x1  }
0x11c: {  	s0 =	simm.s32 $0x6  }
0x11d: {  	s3 =	simm.s32 $0x0;
	[sflag:s0] =	ssyncpa.u1 $0x1  }
0x11e: {  	s0 =	simm.s32 $0xC0  }
0x11f: {  	v0 =	vld.msk [tilespmem:s0+$0x0], $0x1;
	_ =	sdelay $0x4  }
0x120: {  	(v2sf) =	vpush v0, $0x0;
	_ =	sdelay $0xe  }
0x121: {  	s2 =	sadd.s32 $0xFFFFFFFF, s2;
	s4 =	spop (v2sf)  }
0x122: {  	p1 =	sne.s32 s2, $0x0;
	p0 =	sgt.u32 s4, $0x27FF  }
.Ltmp16:
0x123: {  	s5 =	sshrl.u32 @!p0 s4, $0x3;
	(pc) =	sbr.rel @!p1 .LBB2_23-.Ltmp16, $4  }
0x124: {  	s0 =	simm.s32 $0xE0;
	s4 =	sand.u32 @!p0 $0x7, s4;
	s5 =	sadd.s32 @!p0 s1, s5  }
0x125: {  	[hbm4b:s5+s4] =	stream.linear.scatter @!p0 [tilespmem:s0], [sflag:$0x5], $0x1, $0x38;
	[tilespmem:$0x11A60] =	vst v63  }
0x126: {  	s5 =	simm.s32 $0x0  }
0x127: {  	s4 =	simm.s32 $0xC1;
	s5 =	simm.s32 @!p0 $0x4  }
.LBB2_22:
0x128: {  	v0 =	vld.msk [tilespmem:s4+$0x0], $0x1;
	s2 =	sadd.s32 $0xFFFFFFFF, s2;
	s3 =	sadd.s32 s3, s5  }
0x129: {  	p0 =	sne.s32 s2, $0x0;
	_ =	sdelay $0x3  }
0x12a: {  	(v2sf) =	vpush v0, $0x0;
	_ =	sdelay $0xe  }
.Ltmp17:
0x12b: {  	s6 =	spop (v2sf);
	(pc) =	sbr.rel @p0 .LBB2_22-.Ltmp17, $4  }
0x12c: {  	s5 =	simm.s32 $0x0;
	p1 =	sgt.u32 s6, $0x27FF  }
0x12d: {  	s0 =	sadd.s32 $0x1, s0;
	s5 =	simm.s32 @!p1 $0x4;
	s7 =	sshrl.u32 @!p1 s6, $0x3  }
0x12e: {  	s4 =	sadd.s32 $0x1, s4;
	s6 =	sand.u32 @!p1 $0x7, s6;
	s7 =	sadd.s32 @!p1 s1, s7  }
0x12f: {  	[hbm4b:s7+s6] =	stream.linear.scatter @!p1 [tilespmem:s0], [sflag:$0x5], $0x1, $0x38;
	[tilespmem:$0x11A60] =	vst v63  }
.LBB2_23:
0x130: {  	s0 =	sadd.s32 s3, s5  }
0x131: {  	s3 =	sshrl.u32 s0, $0x2  }
.LBB2_24:
0x132: {  	s0 =	simm.s32 $0x5  }
0x133: {  	_ =	swait.ge [sflag:s0], s3  }
0x134: {  	s1 =	ssub.s32 $0x0, s3;
	[sflag:s0] =	ssyncset.done $0x0  }
0x135: {  	[sflag:s0] =	ssyncadd.s32 s1  }
0x136: {  	[sflag:s0] =	ssyncpa.u1 $0x1  }
0x137: {  	s29 =	simm.s32 $0x1;
	_ =	sfence  }
0x138: {  	s30 =	simm.s32 $0x2;
	[sflag:s29] =	ssyncpa.u1 $0x1  }
0x139: {  	[sflag:s30] =	ssyncpa.u1 $0x1  }
0x13a: {  	_ =	strace $0x90000047  }
0x13b: {  	[bflag:$0x2] =	sbarrier.arrive $0xFFFF  }
0x13c: {  	s31 =	rddreg [dreg:$0x1]  }
0x13d: {  	s0 =	sadd.s32 $0x100000, s31  }
0x13e: {  	[sflag:s0] =	ssyncadd.tile.s32 $0x1;
	_ =	shalt  }
.Lfunc_end2:
_tile_overlayer_lowered:
.L_overlay_start_2:
0x13f: {  	(tag) =	ssettag $0x2  }
0x140: {  	s0 =	rddreg [dreg:$0x0];
	s2 =	stileid.u32  }
0x141: {  	s1 =	rddreg [dreg:$0x1];
	p0 =	sne.s32 s2, $0x0  }
0x142: {  	s3 =	rddreg [dreg:$0x2];
	[bflag:$0x3] =	sbarrier.arrive $0xFFFF;
	s2 =	simm.s32 @!p0 $0x1C01  }
0x143: {  	[timem:s3], [sflag:s2] =	dma.local @!p0 [hbm:s0], s1  }
0x144: {  	s0 =	simm.s32 @!p0 $0x1  }
0x145: {  	_ =	swait.ge @!p0 [sflag:s0], s1  }
0x146: {  	s1 =	ssub.s32 @!p0 $0x0, s1;
	[sflag:s0] =	ssyncset.done @!p0 $0x0  }
0x147: {  	[sflag:s0] =	ssyncadd.s32 @!p0 s1  }
0x148: {  	[bflag:$0x3] =	sbarrier.arrive $0xFFFF  }
0x149: {  	_ =	shalt  }

</sc_bundles>
